<compile_context>
chip_gen: v7x
topology: tpu7x:2x2x1
jax: 0.10.2.dev20260603
libtpu: 0.0.44.dev20260713+nightly
codegen_flags: <defaults>
</compile_context>

<pallas_src>
import functools

import jax
import jax.numpy as jnp
from jax import lax
from jax.experimental import pallas as pl
from jax.experimental.pallas import tpu as pltpu
from jax.experimental.pallas import tpu_sc as plsc

XS = YS = ZS = 200
VOL = XS * YS * ZS
NC, NS, L = 2, 16, 16
NPASS = 5
S = VOL // (NC * NPASS)
DUMP = 512
ACCN = S + DUMP
CH = 1024
FB = 4096
IC = 2000


def _f16round(x):
  m = plsc.bitcast(x, jnp.int32)
  bias = jnp.int32(0xFFF) + (jnp.right_shift(m, 13) & jnp.int32(1))
  r = (m + bias) & jnp.int32(-8192)
  y = plsc.bitcast(r, jnp.float32)
  inf = jnp.where(x > 0, jnp.float32(jnp.inf), jnp.float32(-jnp.inf))
  return jnp.where(jnp.abs(x) >= jnp.float32(65520.0), inf, y)


def _lin_body(ix, iy, iz, o):
  o[...] = (ix[...] * YS + iy[...]) * ZS + iz[...]


def _sc_body(lin_hbm, w_hbm, vals_hbm, wvol_hbm, vvol_hbm,
             outw, outv,
             accw, accu,
             ibw0, ibw1, ibv0, ibv1, aw, au,
             linb0, linb1, wb0, wb1, vb0, vb1,
             cidx, cw, cu,
             sio0, sio1, ssc0, ssc1,
             *, m_pts):
  c = lax.axis_index("c")
  s = lax.axis_index("s")
  pts_per_sub = m_pts // NS
  nchunk = pts_per_sub // CH
  pt0 = s * pts_per_sub
  lanes = lax.iota(jnp.int32, L)
  ibw = (ibw0, ibw1)
  ibv = (ibv0, ibv1)
  linb = (linb0, linb1)
  wbuf = (wb0, wb1)
  vbuf = (vb0, vb1)
  sio = (sio0, sio1)
  ssc = (ssc0, ssc1)
  nci = (S // IC) // NS

  def clear_cidx(_=None):
    def clr(k, carry):
      cidx[pl.ds(k * L, L)] = jnp.int32(S) + ((k * L + lanes) & (DUMP - 1))
      return carry
    lax.fori_loop(0, FB // L, clr, None)

  clear_cidx()

  def pass_body(p, _):
    pbase = (c * NPASS + p) * S

    def slice_g(i):
      ci = s + i * NS
      off = pl.multiple_of(ci * IC, 8)
      return off, pl.multiple_of(pbase + off, 8)

    def issue_slice_in(b, i):
      off, g = slice_g(i)
      pltpu.async_copy(wvol_hbm.at[pl.ds(g, IC)], ibw[b], sio[b])
      pltpu.async_copy(vvol_hbm.at[pl.ds(g, IC)], ibv[b], sio[b])

    def wait_slice_in(b):
      pltpu.make_async_copy(wvol_hbm.at[pl.ds(0, IC)], ibw[b], sio[b]).wait()
      pltpu.make_async_copy(vvol_hbm.at[pl.ds(0, IC)], ibv[b], sio[b]).wait()

    def issue_w_in(b, i):
      off, g = slice_g(i)
      pltpu.async_copy(wvol_hbm.at[pl.ds(g, IC)], ibw[b], sio[b])

    def wait_w_in(b):
      pltpu.make_async_copy(wvol_hbm.at[pl.ds(0, IC)], ibw[b], sio[b]).wait()

    def zerok(k, cc):
      au[pl.ds(k * L, L)] = jnp.zeros((L,), jnp.float32)
      return cc
    lax.fori_loop(0, IC // L, zerok, None)

    def init_body(b, i):
      wait_w_in(b)
      off, g = slice_g(i)
      pltpu.sync_copy(ibw[b], accw.at[pl.ds(off, IC)])
      pltpu.sync_copy(au, accu.at[pl.ds(off, IC)])
      @pl.when(i + 2 < nci)
      def _():
        issue_w_in(b, i + 2)

    issue_w_in(0, 0)
    issue_w_in(1, 1)
    def init_pair(ii, carry):
      for b in (0, 1):
        init_body(b, ii * 2 + b)
      return carry
    lax.fori_loop(0, nci // 2, init_pair, None)
    init_body(0, nci - 1)
    plsc.subcore_barrier()

    def flush():
      pltpu.sync_copy(cw, accw.at[cidx], add=True)
      pltpu.sync_copy(cu, accu.at[cidx], add=True)
      clear_cidx()

    def issue_scan(b, j):
      base = pl.multiple_of(pt0 + j * CH, CH)
      pltpu.async_copy(lin_hbm.at[pl.ds(base, CH)], linb[b], ssc[b])
      pltpu.async_copy(w_hbm.at[pl.ds(base, CH)], wbuf[b], ssc[b])
      pltpu.async_copy(
          vals_hbm.at[pl.ds(pl.multiple_of(base // 8, CH // 8), CH // 8)],
          vbuf[b], ssc[b])

    def wait_scan(b):
      pltpu.make_async_copy(lin_hbm.at[pl.ds(0, CH)], linb[b], ssc[b]).wait()
      pltpu.make_async_copy(w_hbm.at[pl.ds(0, CH)], wbuf[b], ssc[b]).wait()
      pltpu.make_async_copy(
          vals_hbm.at[pl.ds(0, CH // 8)], vbuf[b], ssc[b]).wait()

    issue_scan(0, 0)
    issue_scan(1, 1)
    def chunk_pair(jj, off):
      for b in (0, 1):
        j = jj * 2 + b
        need = off > FB - CH
        @pl.when(need)
        def _():
          flush()
        off = jnp.where(need, 0, off)
        wait_scan(b)
        def grp(k, off2):
          l16 = linb[b][pl.ds(k * L, L)]
          loc = l16 - pbase
          msk = (loc >= 0) & (loc < S)
          w16 = wbuf[b][pl.ds(k * L, L)]
          v16 = plsc.load_gather(vbuf[b], [2 * k + jnp.right_shift(lanes, 3)])
          u16 = w16 * v16
          cnt = jnp.sum(msk.astype(jnp.int32))
          plsc.store_compressed(cidx.at[pl.ds(off2, L)], loc, mask=msk)
          plsc.store_compressed(cw.at[pl.ds(off2, L)], w16, mask=msk)
          plsc.store_compressed(cu.at[pl.ds(off2, L)], u16, mask=msk)
          return off2 + cnt
        off = lax.fori_loop(0, CH // L, grp, off)
        @pl.when(j + 2 < nchunk)
        def _():
          issue_scan(b, j + 2)
      return off
    lax.fori_loop(0, nchunk // 2, chunk_pair, jnp.int32(0))
    flush()
    plsc.subcore_barrier()

    def wb_body(b, i):
      off, g = slice_g(i)
      wait_slice_in(b)
      pltpu.sync_copy(accw.at[pl.ds(off, IC)], aw)
      pltpu.sync_copy(accu.at[pl.ds(off, IC)], au)
      def blend(k, cc):
        w0 = ibw[b][pl.ds(k * L, L)]
        v0 = ibv[b][pl.ds(k * L, L)]
        sw = aw[pl.ds(k * L, L)]
        su = au[pl.ds(k * L, L)]
        touched = sw != w0
        ibw[b][pl.ds(k * L, L)] = jnp.where(touched, _f16round(sw), w0)
        ibv[b][pl.ds(k * L, L)] = jnp.where(
            touched, _f16round((w0 * v0 + su) / sw), v0)
        return cc
      lax.fori_loop(0, IC // L, blend, None)
      pltpu.sync_copy(ibw[b], outw.at[pl.ds(g, IC)])
      pltpu.sync_copy(ibv[b], outv.at[pl.ds(g, IC)])
      @pl.when(i + 2 < nci)
      def _():
        issue_slice_in(b, i + 2)

    issue_slice_in(0, 0)
    issue_slice_in(1, 1)
    def wb_pair(ii, carry):
      for b in (0, 1):
        wb_body(b, ii * 2 + b)
      return carry
    lax.fori_loop(0, nci // 2, wb_pair, None)
    wb_body(0, nci - 1)
    plsc.subcore_barrier()
    return _

  lax.fori_loop(0, NPASS, pass_body, None)


def kernel(values, indices, weights, values_volume, weights_volume,
           scores_volume, semantics_volume):
  n = values.size
  m = n * 8
  idxr = indices.reshape(m, 3)
  rows = m // 1024
  ix = idxr[:, 0].reshape(rows, 1024)
  iy = idxr[:, 1].reshape(rows, 1024)
  iz = idxr[:, 2].reshape(rows, 1024)
  lin = pl.pallas_call(
      _lin_body,
      out_shape=jax.ShapeDtypeStruct((rows, 1024), jnp.int32),
      grid=(rows // 8,),
      in_specs=[pl.BlockSpec((8, 1024), lambda i: (i, 0))] * 3,
      out_specs=pl.BlockSpec((8, 1024), lambda i: (i, 0)),
  )(ix, iy, iz)

  mesh = plsc.VectorSubcoreMesh(core_axis_name="c", subcore_axis_name="s")
  sc = functools.partial(
      pl.kernel,
      out_type=(
          jax.ShapeDtypeStruct((VOL,), jnp.float32),
          jax.ShapeDtypeStruct((VOL,), jnp.float32),
      ),
      mesh=mesh,
      compiler_params=pltpu.CompilerParams(needs_layout_passes=False),
      scratch_types=[
          pltpu.VMEM_SHARED((ACCN,), jnp.float32),
          pltpu.VMEM_SHARED((ACCN,), jnp.float32),
          pltpu.VMEM((IC,), jnp.float32),
          pltpu.VMEM((IC,), jnp.float32),
          pltpu.VMEM((IC,), jnp.float32),
          pltpu.VMEM((IC,), jnp.float32),
          pltpu.VMEM((IC,), jnp.float32),
          pltpu.VMEM((IC,), jnp.float32),
          pltpu.VMEM((CH,), jnp.int32),
          pltpu.VMEM((CH,), jnp.int32),
          pltpu.VMEM((CH,), jnp.float32),
          pltpu.VMEM((CH,), jnp.float32),
          pltpu.VMEM((CH // 8,), jnp.float32),
          pltpu.VMEM((CH // 8,), jnp.float32),
          pltpu.VMEM((FB,), jnp.int32),
          pltpu.VMEM((FB,), jnp.float32),
          pltpu.VMEM((FB,), jnp.float32),
          pltpu.SemaphoreType.DMA,
          pltpu.SemaphoreType.DMA,
          pltpu.SemaphoreType.DMA,
          pltpu.SemaphoreType.DMA,
      ],
  )(functools.partial(_sc_body, m_pts=m))

  outw, outv = sc(
      lin.reshape(m),
      weights.reshape(m).astype(jnp.float32),
      values.reshape(n).astype(jnp.float32),
      weights_volume.reshape(VOL),
      values_volume.reshape(VOL),
  )
  return (outv.reshape(XS, YS, ZS), outw.reshape(XS, YS, ZS),
          semantics_volume, scores_volume)

# --- scband reference (transcript-rebuilt; emitter-appended) ---
"""Pipeline reference for scband-integrator-54460185313483 (READ-ONLY COPY).

The authoritative reference and input builder live on the scoring server;
editing this copy changes nothing except your own understanding.
"""

import jax, jax.numpy as jnp
import numpy as np


def setup_inputs(seed: int = 0):
    key = jax.random.key(seed)
    k1, k2, k3, k4, k5 = jax.random.split(key, 5)
    n1, n2, n3 = 240, 320, 4
    xs = ys = zs = 200
    values = jax.random.normal(k1, (n1, n2, n3), dtype=jnp.float32)
    indices = jax.random.randint(k2, (n1, n2, n3, 8, 3), 0, xs, dtype=jnp.int32)
    weights = jax.random.uniform(k3, (n1, n2, n3, 8), dtype=jnp.float32)
    values_volume = jax.random.normal(k4, (xs, ys, zs), dtype=jnp.float32)
    weights_volume = jax.random.uniform(k5, (xs, ys, zs), dtype=jnp.float32) + 0.5
    scores_volume = jnp.zeros((xs, ys, zs), dtype=jnp.float32)
    semantics_volume = jnp.zeros((xs, ys, zs), dtype=jnp.float32)
    return {"values": values, "indices": indices, "weights": weights,
            "values_volume": values_volume, "weights_volume": weights_volume,
            "scores_volume": scores_volume, "semantics_volume": semantics_volume}


def reference(values, indices, weights, values_volume, weights_volume, scores_volume, semantics_volume):
    xs, ys, zs = values_volume.shape
    n = values.size
    idx = indices.reshape(n * 8, 3)
    w = weights.reshape(n * 8).astype(jnp.float32)
    v = jnp.broadcast_to(values.reshape(n, 1), (n, 8)).reshape(n * 8).astype(jnp.float32)
    # validity mask (all indices generated in-range, so mask is all-True; applied
    # multiplicatively to stay faithful to get_index_mask semantics)
    valid = ((idx[:, 0] >= 0) & (idx[:, 0] < xs) &
             (idx[:, 1] >= 0) & (idx[:, 1] < ys) &
             (idx[:, 2] >= 0) & (idx[:, 2] < zs))
    validf = valid.astype(jnp.float32)
    w = w * validf
    update = w * v
    ix = jnp.clip(idx[:, 0], 0, xs - 1)
    iy = jnp.clip(idx[:, 1], 0, ys - 1)
    iz = jnp.clip(idx[:, 2], 0, zs - 1)
    lin = ys * zs * ix + zs * iy + iz
    # scatter-add weights, then gather aggregated per-point weights
    w_cache = jnp.zeros(xs * ys * zs, jnp.float32).at[lin].add(w)
    w_agg = w_cache[lin]
    # scatter-add weighted values, then gather aggregated per-point update
    u_cache = jnp.zeros(xs * ys * zs, jnp.float32).at[lin].add(update)
    u_agg = u_cache[lin]
    # gather old values from volumes
    w_old = weights_volume[ix, iy, iz]
    v_old = values_volume[ix, iy, iz]
    # blended update, with half-precision rounding as in the torch code
    weight_update = (w_old + w_agg).astype(jnp.float16).astype(jnp.float32)
    value_update = ((w_old * v_old + u_agg) / (w_old + w_agg)).astype(jnp.float16).astype(jnp.float32)
    # scatter-overwrite back into the volumes (duplicate indices carry identical
    # aggregated values, so the write is deterministic)
    weights_new = weights_volume.at[ix, iy, iz].set(weight_update)
    values_new = values_volume.at[ix, iy, iz].set(value_update)
    # semantics disabled in config => semantics branch skipped
    return (values_new, weights_new, semantics_volume, scores_volume)

if __name__ == "__main__":
    import jax
    _d = setup_inputs()
    print(jax.jit(kernel)(*tuple(_d.values())))

</pallas_src>

<mosaic_0001>
#map = affine_map<(d0, d1) -> (0)>
module attributes {stable_mosaic.version = 14 : i64} {
  func.func @_sc_body(%arg0: i32, %arg1: i32, %arg2: memref<2457600xi32, #tpu.memory_space<hbm>>, %arg3: memref<2457600xf32, #tpu.memory_space<hbm>>, %arg4: memref<307200xf32, #tpu.memory_space<hbm>>, %arg5: memref<8000000xf32, #tpu.memory_space<hbm>>, %arg6: memref<8000000xf32, #tpu.memory_space<hbm>>, %arg7: memref<8000000xf32, #tpu.memory_space<hbm>>, %arg8: memref<8000000xf32, #tpu.memory_space<hbm>>, %arg9: memref<800512xf32, #tpu.memory_space<vmem_shared>>, %arg10: memref<800512xf32, #tpu.memory_space<vmem_shared>>, %arg11: memref<2000xf32, #tpu.memory_space<vmem>>, %arg12: memref<2000xf32, #tpu.memory_space<vmem>>, %arg13: memref<2000xf32, #tpu.memory_space<vmem>>, %arg14: memref<2000xf32, #tpu.memory_space<vmem>>, %arg15: memref<2000xf32, #tpu.memory_space<vmem>>, %arg16: memref<2000xf32, #tpu.memory_space<vmem>>, %arg17: memref<1024xi32, #tpu.memory_space<vmem>>, %arg18: memref<1024xi32, #tpu.memory_space<vmem>>, %arg19: memref<1024xf32, #tpu.memory_space<vmem>>, %arg20: memref<1024xf32, #tpu.memory_space<vmem>>, %arg21: memref<128xf32, #tpu.memory_space<vmem>>, %arg22: memref<128xf32, #tpu.memory_space<vmem>>, %arg23: memref<4096xi32, #tpu.memory_space<vmem>>, %arg24: memref<4096xf32, #tpu.memory_space<vmem>>, %arg25: memref<4096xf32, #tpu.memory_space<vmem>>, %arg26: memref<!tpu.dma_semaphore, #tpu.memory_space<semaphore_mem>>, %arg27: memref<!tpu.dma_semaphore, #tpu.memory_space<semaphore_mem>>, %arg28: memref<!tpu.dma_semaphore, #tpu.memory_space<semaphore_mem>>, %arg29: memref<!tpu.dma_semaphore, #tpu.memory_space<semaphore_mem>>) attributes {dimension_semantics = [#tpu.dimension_semantics<core_parallel>, #tpu.dimension_semantics<subcore_parallel>], iteration_bounds = array<i64: 2, 16>, scalar_prefetch = 0 : i64, scratch_operands = 21 : i64, tpu.core_type = #tpu.core_type<sc_vector_subcore>, window_params = [{transform_indices = #map}, {transform_indices = #map}, {transform_indices = #map}, {transform_indices = #map}, {transform_indices = #map}, {transform_indices = #map}, {transform_indices = #map}]} {
    %mul3A = arith.constant 153600 : i32
    %mul3A_0 = arith.muli %arg1, %mul3A : i32
    %iota3A = tpu.iota {dimensions = array<i32: 0>} : vector<16xi32>
    %scan3A = arith.constant 0 : i32
    %scan3A_1 = arith.constant 256 : i32
    %scan3A_2 = arith.addi %scan3A, %scan3A_1 : i32
    %scan3A_3 = arith.constant 1 : i32
    scf.for %scan3A_10 = %scan3A to %scan3A_2 step %scan3A_3  : i32 {
      %mul3A_11 = arith.constant 16 : i32
      %mul3A_12 = arith.muli %scan3A_10, %mul3A_11 : i32
      %add3A = vector.broadcast %mul3A_12 : i32 to vector<16xi32>
      %add3A_13 = arith.addi %add3A, %iota3A : vector<16xi32>
      %and3A = arith.constant 511 : i32
      %and3A_14 = vector.broadcast %and3A : i32 to vector<16xi32>
      %and3A_15 = arith.andi %add3A_13, %and3A_14 : vector<16xi32>
      %add3A_16 = arith.constant 800000 : i32
      %add3A_17 = vector.broadcast %add3A_16 : i32 to vector<16xi32>
      %add3A_18 = arith.addi %add3A_17, %and3A_15 : vector<16xi32>
      %mul3A_19 = arith.constant 16 : i32
      %mul3A_20 = arith.muli %scan3A_10, %mul3A_19 : i32
      %swap3A = arith.index_cast %mul3A_20 : i32 to index
      %swap3A_21 = tpu.vector_load %arg23[%swap3A] {strides = array<i32>} : memref<4096xi32, #tpu.memory_space<vmem>>, vector<16xi32>,
      tpu.vector_store %arg23[%swap3A], %add3A_18 {strides = array<i32>} : memref<4096xi32, #tpu.memory_space<vmem>>, vector<16xi32>,
    }
    %scan3A_4 = arith.constant 256 : i32
    %scan3A_5 = arith.constant 0 : i32
    %scan3A_6 = arith.constant 5 : i32
    %scan3A_7 = arith.addi %scan3A_5, %scan3A_6 : i32
    %scan3A_8 = arith.constant 1 : i32
    scf.for %scan3A_10 = %scan3A_5 to %scan3A_7 step %scan3A_8  : i32 {
      %mul3A_11 = arith.constant 5 : i32
      %mul3A_12 = arith.muli %arg0, %mul3A_11 : i32
      %add3A = arith.addi %mul3A_12, %scan3A_10 : i32
      %mul3A_13 = arith.constant 800000 : i32
      %mul3A_14 = arith.muli %add3A, %mul3A_13 : i32
      %scan3A_15 = arith.constant 0 : i32
      %scan3A_16 = arith.constant 125 : i32
      %scan3A_17 = arith.addi %scan3A_15, %scan3A_16 : i32
      %scan3A_18 = arith.constant 1 : i32
      scf.for %scan3A_172 = %scan3A_15 to %scan3A_17 step %scan3A_18  : i32 {
        %broadcast_in_dim3A = arith.constant 0.000000e+00 : f32
        %broadcast_in_dim3A_173 = vector.broadcast %broadcast_in_dim3A : f32 to vector<16xf32>
        %mul3A_174 = arith.constant 16 : i32
        %mul3A_175 = arith.muli %scan3A_172, %mul3A_174 : i32
        %swap3A = arith.index_cast %mul3A_175 : i32 to index
        %swap3A_176 = tpu.vector_load %arg16[%swap3A] {strides = array<i32>} : memref<2000xf32, #tpu.memory_space<vmem>>, vector<16xf32>,
        tpu.vector_store %arg16[%swap3A], %broadcast_in_dim3A_173 {strides = array<i32>} : memref<2000xf32, #tpu.memory_space<vmem>>, vector<16xf32>,
      }
      %scan3A_19 = arith.constant 125 : i32
      %add3A_20 = arith.constant 0 : i32
      %add3A_21 = arith.addi %arg1, %add3A_20 : i32
      %mul3A_22 = arith.constant 2000 : i32
      %mul3A_23 = arith.muli %add3A_21, %mul3A_22 : i32
      %multiple_of3A = tpu.assume_multiple %mul3A_23, 8 : i32
      %add3A_24 = arith.addi %mul3A_14, %multiple_of3A : i32
      %multiple_of3A_25 = tpu.assume_multiple %add3A_24, 8 : i32
      %dma_start3A = tpu.memref_slice %arg5[%multiple_of3A_25] : memref<8000000xf32, #tpu.memory_space<hbm>> -> memref<2000xf32, #tpu.memory_space<hbm>>
      %dma_start3A_26 = tpu.memref_slice %arg5[%multiple_of3A_25] : memref<8000000xf32, #tpu.memory_space<hbm>> -> memref<2000xf32, #tpu.memory_space<hbm>>
      tpu.enqueue_dma source(%dma_start3A_26 : memref<2000xf32, #tpu.memory_space<hbm>>) target(%arg11 : memref<2000xf32, #tpu.memory_space<vmem>>) target_semaphore(%arg26 : memref<!tpu.dma_semaphore, #tpu.memory_space<semaphore_mem>>)
      %add3A_27 = arith.constant 16 : i32
      %add3A_28 = arith.addi %arg1, %add3A_27 : i32
      %mul3A_29 = arith.constant 2000 : i32
      %mul3A_30 = arith.muli %add3A_28, %mul3A_29 : i32
      %multiple_of3A_31 = tpu.assume_multiple %mul3A_30, 8 : i32
      %add3A_32 = arith.addi %mul3A_14, %multiple_of3A_31 : i32
      %multiple_of3A_33 = tpu.assume_multiple %add3A_32, 8 : i32
      %dma_start3A_34 = tpu.memref_slice %arg5[%multiple_of3A_33] : memref<8000000xf32, #tpu.memory_space<hbm>> -> memref<2000xf32, #tpu.memory_space<hbm>>
      %dma_start3A_35 = tpu.memref_slice %arg5[%multiple_of3A_33] : memref<8000000xf32, #tpu.memory_space<hbm>> -> memref<2000xf32, #tpu.memory_space<hbm>>
      tpu.enqueue_dma source(%dma_start3A_35 : memref<2000xf32, #tpu.memory_space<hbm>>) target(%arg12 : memref<2000xf32, #tpu.memory_space<vmem>>) target_semaphore(%arg27 : memref<!tpu.dma_semaphore, #tpu.memory_space<semaphore_mem>>)
      %scan3A_36 = arith.constant 0 : i32
      %scan3A_37 = arith.constant 12 : i32
      %scan3A_38 = arith.addi %scan3A_36, %scan3A_37 : i32
      %scan3A_39 = arith.constant 1 : i32
      scf.for %scan3A_172 = %scan3A_36 to %scan3A_38 step %scan3A_39  : i32 {
        %mul3A_173 = arith.constant 2 : i32
        %mul3A_174 = arith.muli %scan3A_172, %mul3A_173 : i32
        %add3A_175 = arith.constant 0 : i32
        %add3A_176 = arith.addi %mul3A_174, %add3A_175 : i32
        %dma_wait3A_177 = arith.constant 0 : i32
        %dma_wait3A_178 = tpu.memref_slice %arg5[%dma_wait3A_177] : memref<8000000xf32, #tpu.memory_space<hbm>> -> memref<2000xf32, #tpu.memory_space<hbm>>
        %dma_wait3A_179 = arith.constant 0 : i32
        %dma_wait3A_180 = tpu.memref_slice %arg5[%dma_wait3A_179] : memref<8000000xf32, #tpu.memory_space<hbm>> -> memref<2000xf32, #tpu.memory_space<hbm>>
        tpu.wait_dma2 semaphore(%arg26 : memref<!tpu.dma_semaphore, #tpu.memory_space<semaphore_mem>>) src(%dma_wait3A_180 : memref<2000xf32, #tpu.memory_space<hbm>>) dst(%arg11 : memref<2000xf32, #tpu.memory_space<vmem>>)
        %mul3A_181 = arith.constant 16 : i32
        %mul3A_182 = arith.muli %add3A_176, %mul3A_181 : i32
        %add3A_183 = arith.addi %arg1, %mul3A_182 : i32
        %mul3A_184 = arith.constant 2000 : i32
        %mul3A_185 = arith.muli %add3A_183, %mul3A_184 : i32
        %multiple_of3A_186 = tpu.assume_multiple %mul3A_185, 8 : i32
        %add3A_187 = arith.addi %mul3A_14, %multiple_of3A_186 : i32
        %multiple_of3A_188 = tpu.assume_multiple %add3A_187, 8 : i32
        "tpu.region"() ({
          %run_scoped3A = tpu.sem_alloc : memref<!tpu.dma_semaphore, #tpu.memory_space<semaphore_mem>>
          %dma_start3A_216 = tpu.memref_slice %arg9[%multiple_of3A_186] : memref<800512xf32, #tpu.memory_space<vmem_shared>> -> memref<2000xf32, #tpu.memory_space<vmem_shared>>
          %dma_start3A_217 = tpu.memref_slice %arg9[%multiple_of3A_186] : memref<800512xf32, #tpu.memory_space<vmem_shared>> -> memref<2000xf32, #tpu.memory_space<vmem_shared>>
          tpu.enqueue_dma source(%arg11 : memref<2000xf32, #tpu.memory_space<vmem>>) target(%dma_start3A_217 : memref<2000xf32, #tpu.memory_space<vmem_shared>>) target_semaphore(%run_scoped3A : memref<!tpu.dma_semaphore, #tpu.memory_space<semaphore_mem>>)
          %dma_wait3A_218 = tpu.memref_slice %arg9[%multiple_of3A_186] : memref<800512xf32, #tpu.memory_space<vmem_shared>> -> memref<2000xf32, #tpu.memory_space<vmem_shared>>
          %dma_wait3A_219 = tpu.memref_slice %arg9[%multiple_of3A_186] : memref<800512xf32, #tpu.memory_space<vmem_shared>> -> memref<2000xf32, #tpu.memory_space<vmem_shared>>
          tpu.wait_dma2 semaphore(%run_scoped3A : memref<!tpu.dma_semaphore, #tpu.memory_space<semaphore_mem>>) src(%arg11 : memref<2000xf32, #tpu.memory_space<vmem>>) dst(%dma_wait3A_219 : memref<2000xf32, #tpu.memory_space<vmem_shared>>)
          tpu.yield
        }) : () -> ()
        "tpu.region"() ({
          %run_scoped3A = tpu.sem_alloc : memref<!tpu.dma_semaphore, #tpu.memory_space<semaphore_mem>>
          %dma_start3A_216 = tpu.memref_slice %arg10[%multiple_of3A_186] : memref<800512xf32, #tpu.memory_space<vmem_shared>> -> memref<2000xf32, #tpu.memory_space<vmem_shared>>
          %dma_start3A_217 = tpu.memref_slice %arg10[%multiple_of3A_186] : memref<800512xf32, #tpu.memory_space<vmem_shared>> -> memref<2000xf32, #tpu.memory_space<vmem_shared>>
          tpu.enqueue_dma source(%arg16 : memref<2000xf32, #tpu.memory_space<vmem>>) target(%dma_start3A_217 : memref<2000xf32, #tpu.memory_space<vmem_shared>>) target_semaphore(%run_scoped3A : memref<!tpu.dma_semaphore, #tpu.memory_space<semaphore_mem>>)
          %dma_wait3A_218 = tpu.memref_slice %arg10[%multiple_of3A_186] : memref<800512xf32, #tpu.memory_space<vmem_shared>> -> memref<2000xf32, #tpu.memory_space<vmem_shared>>
          %dma_wait3A_219 = tpu.memref_slice %arg10[%multiple_of3A_186] : memref<800512xf32, #tpu.memory_space<vmem_shared>> -> memref<2000xf32, #tpu.memory_space<vmem_shared>>
          tpu.wait_dma2 semaphore(%run_scoped3A : memref<!tpu.dma_semaphore, #tpu.memory_space<semaphore_mem>>) src(%arg16 : memref<2000xf32, #tpu.memory_space<vmem>>) dst(%dma_wait3A_219 : memref<2000xf32, #tpu.memory_space<vmem_shared>>)
          tpu.yield
        }) : () -> ()
        %add3A_189 = arith.constant 2 : i32
        %add3A_190 = arith.addi %add3A_176, %add3A_189 : i32
        %lt3A = arith.constant 25 : i32
        %lt3A_191 = arith.cmpi slt, %add3A_190, %lt3A : i32
        %convert_element_type3A = arith.extui %lt3A_191 : i1 to i32
        %cond3A = arith.constant 0 : i32
        %cond3A_192 = arith.cmpi ne, %convert_element_type3A, %cond3A : i32
        scf.if %cond3A_192 {
          %add3A_216 = arith.constant 2 : i32
          %add3A_217 = arith.addi %add3A_176, %add3A_216 : i32
          %mul3A_218 = arith.constant 16 : i32
          %mul3A_219 = arith.muli %add3A_217, %mul3A_218 : i32
          %add3A_220 = arith.addi %arg1, %mul3A_219 : i32
          %mul3A_221 = arith.constant 2000 : i32
          %mul3A_222 = arith.muli %add3A_220, %mul3A_221 : i32
          %multiple_of3A_223 = tpu.assume_multiple %mul3A_222, 8 : i32
          %add3A_224 = arith.addi %mul3A_14, %multiple_of3A_223 : i32
          %multiple_of3A_225 = tpu.assume_multiple %add3A_224, 8 : i32
          %dma_start3A_226 = tpu.memref_slice %arg5[%multiple_of3A_225] : memref<8000000xf32, #tpu.memory_space<hbm>> -> memref<2000xf32, #tpu.memory_space<hbm>>
          %dma_start3A_227 = tpu.memref_slice %arg5[%multiple_of3A_225] : memref<8000000xf32, #tpu.memory_space<hbm>> -> memref<2000xf32, #tpu.memory_space<hbm>>
          tpu.enqueue_dma source(%dma_start3A_227 : memref<2000xf32, #tpu.memory_space<hbm>>) target(%arg11 : memref<2000xf32, #tpu.memory_space<vmem>>) target_semaphore(%arg26 : memref<!tpu.dma_semaphore, #tpu.memory_space<semaphore_mem>>)
        } else {
        }
        %mul3A_193 = arith.constant 2 : i32
        %mul3A_194 = arith.muli %scan3A_172, %mul3A_193 : i32
        %add3A_195 = arith.constant 1 : i32
        %add3A_196 = arith.addi %mul3A_194, %add3A_195 : i32
        %dma_wait3A_197 = arith.constant 0 : i32
        %dma_wait3A_198 = tpu.memref_slice %arg5[%dma_wait3A_197] : memref<8000000xf32, #tpu.memory_space<hbm>> -> memref<2000xf32, #tpu.memory_space<hbm>>
        %dma_wait3A_199 = arith.constant 0 : i32
        %dma_wait3A_200 = tpu.memref_slice %arg5[%dma_wait3A_199] : memref<8000000xf32, #tpu.memory_space<hbm>> -> memref<2000xf32, #tpu.memory_space<hbm>>
        tpu.wait_dma2 semaphore(%arg27 : memref<!tpu.dma_semaphore, #tpu.memory_space<semaphore_mem>>) src(%dma_wait3A_200 : memref<2000xf32, #tpu.memory_space<hbm>>) dst(%arg12 : memref<2000xf32, #tpu.memory_space<vmem>>)
        %mul3A_201 = arith.constant 16 : i32
        %mul3A_202 = arith.muli %add3A_196, %mul3A_201 : i32
        %add3A_203 = arith.addi %arg1, %mul3A_202 : i32
        %mul3A_204 = arith.constant 2000 : i32
        %mul3A_205 = arith.muli %add3A_203, %mul3A_204 : i32
        %multiple_of3A_206 = tpu.assume_multiple %mul3A_205, 8 : i32
        %add3A_207 = arith.addi %mul3A_14, %multiple_of3A_206 : i32
        %multiple_of3A_208 = tpu.assume_multiple %add3A_207, 8 : i32
        "tpu.region"() ({
          %run_scoped3A = tpu.sem_alloc : memref<!tpu.dma_semaphore, #tpu.memory_space<semaphore_mem>>
          %dma_start3A_216 = tpu.memref_slice %arg9[%multiple_of3A_206] : memref<800512xf32, #tpu.memory_space<vmem_shared>> -> memref<2000xf32, #tpu.memory_space<vmem_shared>>
          %dma_start3A_217 = tpu.memref_slice %arg9[%multiple_of3A_206] : memref<800512xf32, #tpu.memory_space<vmem_shared>> -> memref<2000xf32, #tpu.memory_space<vmem_shared>>
          tpu.enqueue_dma source(%arg12 : memref<2000xf32, #tpu.memory_space<vmem>>) target(%dma_start3A_217 : memref<2000xf32, #tpu.memory_space<vmem_shared>>) target_semaphore(%run_scoped3A : memref<!tpu.dma_semaphore, #tpu.memory_space<semaphore_mem>>)
          %dma_wait3A_218 = tpu.memref_slice %arg9[%multiple_of3A_206] : memref<800512xf32, #tpu.memory_space<vmem_shared>> -> memref<2000xf32, #tpu.memory_space<vmem_shared>>
          %dma_wait3A_219 = tpu.memref_slice %arg9[%multiple_of3A_206] : memref<800512xf32, #tpu.memory_space<vmem_shared>> -> memref<2000xf32, #tpu.memory_space<vmem_shared>>
          tpu.wait_dma2 semaphore(%run_scoped3A : memref<!tpu.dma_semaphore, #tpu.memory_space<semaphore_mem>>) src(%arg12 : memref<2000xf32, #tpu.memory_space<vmem>>) dst(%dma_wait3A_219 : memref<2000xf32, #tpu.memory_space<vmem_shared>>)
          tpu.yield
        }) : () -> ()
        "tpu.region"() ({
          %run_scoped3A = tpu.sem_alloc : memref<!tpu.dma_semaphore, #tpu.memory_space<semaphore_mem>>
          %dma_start3A_216 = tpu.memref_slice %arg10[%multiple_of3A_206] : memref<800512xf32, #tpu.memory_space<vmem_shared>> -> memref<2000xf32, #tpu.memory_space<vmem_shared>>
          %dma_start3A_217 = tpu.memref_slice %arg10[%multiple_of3A_206] : memref<800512xf32, #tpu.memory_space<vmem_shared>> -> memref<2000xf32, #tpu.memory_space<vmem_shared>>
          tpu.enqueue_dma source(%arg16 : memref<2000xf32, #tpu.memory_space<vmem>>) target(%dma_start3A_217 : memref<2000xf32, #tpu.memory_space<vmem_shared>>) target_semaphore(%run_scoped3A : memref<!tpu.dma_semaphore, #tpu.memory_space<semaphore_mem>>)
          %dma_wait3A_218 = tpu.memref_slice %arg10[%multiple_of3A_206] : memref<800512xf32, #tpu.memory_space<vmem_shared>> -> memref<2000xf32, #tpu.memory_space<vmem_shared>>
          %dma_wait3A_219 = tpu.memref_slice %arg10[%multiple_of3A_206] : memref<800512xf32, #tpu.memory_space<vmem_shared>> -> memref<2000xf32, #tpu.memory_space<vmem_shared>>
          tpu.wait_dma2 semaphore(%run_scoped3A : memref<!tpu.dma_semaphore, #tpu.memory_space<semaphore_mem>>) src(%arg16 : memref<2000xf32, #tpu.memory_space<vmem>>) dst(%dma_wait3A_219 : memref<2000xf32, #tpu.memory_space<vmem_shared>>)
          tpu.yield
        }) : () -> ()
        %add3A_209 = arith.constant 2 : i32
        %add3A_210 = arith.addi %add3A_196, %add3A_209 : i32
        %lt3A_211 = arith.constant 25 : i32
        %lt3A_212 = arith.cmpi slt, %add3A_210, %lt3A_211 : i32
        %convert_element_type3A_213 = arith.extui %lt3A_212 : i1 to i32
        %cond3A_214 = arith.constant 0 : i32
        %cond3A_215 = arith.cmpi ne, %convert_element_type3A_213, %cond3A_214 : i32
        scf.if %cond3A_215 {
          %add3A_216 = arith.constant 2 : i32
          %add3A_217 = arith.addi %add3A_196, %add3A_216 : i32
          %mul3A_218 = arith.constant 16 : i32
          %mul3A_219 = arith.muli %add3A_217, %mul3A_218 : i32
          %add3A_220 = arith.addi %arg1, %mul3A_219 : i32
          %mul3A_221 = arith.constant 2000 : i32
          %mul3A_222 = arith.muli %add3A_220, %mul3A_221 : i32
          %multiple_of3A_223 = tpu.assume_multiple %mul3A_222, 8 : i32
          %add3A_224 = arith.addi %mul3A_14, %multiple_of3A_223 : i32
          %multiple_of3A_225 = tpu.assume_multiple %add3A_224, 8 : i32
          %dma_start3A_226 = tpu.memref_slice %arg5[%multiple_of3A_225] : memref<8000000xf32, #tpu.memory_space<hbm>> -> memref<2000xf32, #tpu.memory_space<hbm>>
          %dma_start3A_227 = tpu.memref_slice %arg5[%multiple_of3A_225] : memref<8000000xf32, #tpu.memory_space<hbm>> -> memref<2000xf32, #tpu.memory_space<hbm>>
          tpu.enqueue_dma source(%dma_start3A_227 : memref<2000xf32, #tpu.memory_space<hbm>>) target(%arg12 : memref<2000xf32, #tpu.memory_space<vmem>>) target_semaphore(%arg27 : memref<!tpu.dma_semaphore, #tpu.memory_space<semaphore_mem>>)
        } else {
        }
      }
      %scan3A_40 = arith.constant 12 : i32
      %dma_wait3A = arith.constant 0 : i32
      %dma_wait3A_41 = tpu.memref_slice %arg5[%dma_wait3A] : memref<8000000xf32, #tpu.memory_space<hbm>> -> memref<2000xf32, #tpu.memory_space<hbm>>
      %dma_wait3A_42 = arith.constant 0 : i32
      %dma_wait3A_43 = tpu.memref_slice %arg5[%dma_wait3A_42] : memref<8000000xf32, #tpu.memory_space<hbm>> -> memref<2000xf32, #tpu.memory_space<hbm>>
      tpu.wait_dma2 semaphore(%arg26 : memref<!tpu.dma_semaphore, #tpu.memory_space<semaphore_mem>>) src(%dma_wait3A_43 : memref<2000xf32, #tpu.memory_space<hbm>>) dst(%arg11 : memref<2000xf32, #tpu.memory_space<vmem>>)
      %add3A_44 = arith.constant 384 : i32
      %add3A_45 = arith.addi %arg1, %add3A_44 : i32
      %mul3A_46 = arith.constant 2000 : i32
      %mul3A_47 = arith.muli %add3A_45, %mul3A_46 : i32
      %multiple_of3A_48 = tpu.assume_multiple %mul3A_47, 8 : i32
      %add3A_49 = arith.addi %mul3A_14, %multiple_of3A_48 : i32
      %multiple_of3A_50 = tpu.assume_multiple %add3A_49, 8 : i32
      "tpu.region"() ({
        %run_scoped3A = tpu.sem_alloc : memref<!tpu.dma_semaphore, #tpu.memory_space<semaphore_mem>>
        %dma_start3A_172 = tpu.memref_slice %arg9[%multiple_of3A_48] : memref<800512xf32, #tpu.memory_space<vmem_shared>> -> memref<2000xf32, #tpu.memory_space<vmem_shared>>
        %dma_start3A_173 = tpu.memref_slice %arg9[%multiple_of3A_48] : memref<800512xf32, #tpu.memory_space<vmem_shared>> -> memref<2000xf32, #tpu.memory_space<vmem_shared>>
        tpu.enqueue_dma source(%arg11 : memref<2000xf32, #tpu.memory_space<vmem>>) target(%dma_start3A_173 : memref<2000xf32, #tpu.memory_space<vmem_shared>>) target_semaphore(%run_scoped3A : memref<!tpu.dma_semaphore, #tpu.memory_space<semaphore_mem>>)
        %dma_wait3A_174 = tpu.memref_slice %arg9[%multiple_of3A_48] : memref<800512xf32, #tpu.memory_space<vmem_shared>> -> memref<2000xf32, #tpu.memory_space<vmem_shared>>
        %dma_wait3A_175 = tpu.memref_slice %arg9[%multiple_of3A_48] : memref<800512xf32, #tpu.memory_space<vmem_shared>> -> memref<2000xf32, #tpu.memory_space<vmem_shared>>
        tpu.wait_dma2 semaphore(%run_scoped3A : memref<!tpu.dma_semaphore, #tpu.memory_space<semaphore_mem>>) src(%arg11 : memref<2000xf32, #tpu.memory_space<vmem>>) dst(%dma_wait3A_175 : memref<2000xf32, #tpu.memory_space<vmem_shared>>)
        tpu.yield
      }) : () -> ()
      "tpu.region"() ({
        %run_scoped3A = tpu.sem_alloc : memref<!tpu.dma_semaphore, #tpu.memory_space<semaphore_mem>>
        %dma_start3A_172 = tpu.memref_slice %arg10[%multiple_of3A_48] : memref<800512xf32, #tpu.memory_space<vmem_shared>> -> memref<2000xf32, #tpu.memory_space<vmem_shared>>
        %dma_start3A_173 = tpu.memref_slice %arg10[%multiple_of3A_48] : memref<800512xf32, #tpu.memory_space<vmem_shared>> -> memref<2000xf32, #tpu.memory_space<vmem_shared>>
        tpu.enqueue_dma source(%arg16 : memref<2000xf32, #tpu.memory_space<vmem>>) target(%dma_start3A_173 : memref<2000xf32, #tpu.memory_space<vmem_shared>>) target_semaphore(%run_scoped3A : memref<!tpu.dma_semaphore, #tpu.memory_space<semaphore_mem>>)
        %dma_wait3A_174 = tpu.memref_slice %arg10[%multiple_of3A_48] : memref<800512xf32, #tpu.memory_space<vmem_shared>> -> memref<2000xf32, #tpu.memory_space<vmem_shared>>
        %dma_wait3A_175 = tpu.memref_slice %arg10[%multiple_of3A_48] : memref<800512xf32, #tpu.memory_space<vmem_shared>> -> memref<2000xf32, #tpu.memory_space<vmem_shared>>
        tpu.wait_dma2 semaphore(%run_scoped3A : memref<!tpu.dma_semaphore, #tpu.memory_space<semaphore_mem>>) src(%arg16 : memref<2000xf32, #tpu.memory_space<vmem>>) dst(%dma_wait3A_175 : memref<2000xf32, #tpu.memory_space<vmem_shared>>)
        tpu.yield
      }) : () -> ()
      %barrier3A = arith.constant 0 : index
      tpu.barrier barrier_id(%barrier3A)
      %add3A_51 = arith.constant 0 : i32
      %add3A_52 = arith.addi %mul3A_0, %add3A_51 : i32
      %multiple_of3A_53 = tpu.assume_multiple %add3A_52, 1024 : i32
      %dma_start3A_54 = tpu.memref_slice %arg2[%multiple_of3A_53] : memref<2457600xi32, #tpu.memory_space<hbm>> -> memref<1024xi32, #tpu.memory_space<hbm>>
      %dma_start3A_55 = tpu.memref_slice %arg2[%multiple_of3A_53] : memref<2457600xi32, #tpu.memory_space<hbm>> -> memref<1024xi32, #tpu.memory_space<hbm>>
      tpu.enqueue_dma source(%dma_start3A_55 : memref<1024xi32, #tpu.memory_space<hbm>>) target(%arg17 : memref<1024xi32, #tpu.memory_space<vmem>>) target_semaphore(%arg28 : memref<!tpu.dma_semaphore, #tpu.memory_space<semaphore_mem>>)
      %dma_start3A_56 = tpu.memref_slice %arg3[%multiple_of3A_53] : memref<2457600xf32, #tpu.memory_space<hbm>> -> memref<1024xf32, #tpu.memory_space<hbm>>
      %dma_start3A_57 = tpu.memref_slice %arg3[%multiple_of3A_53] : memref<2457600xf32, #tpu.memory_space<hbm>> -> memref<1024xf32, #tpu.memory_space<hbm>>
      tpu.enqueue_dma source(%dma_start3A_57 : memref<1024xf32, #tpu.memory_space<hbm>>) target(%arg19 : memref<1024xf32, #tpu.memory_space<vmem>>) target_semaphore(%arg28 : memref<!tpu.dma_semaphore, #tpu.memory_space<semaphore_mem>>)
      %jit3A = arith.constant 8 : i32
      %div3A = arith.divsi %multiple_of3A_53, %jit3A : i32
      %sign3A = arith.constant 0 : i32
      %sign3A_58 = arith.cmpi sgt, %multiple_of3A_53, %sign3A : i32
      %sign3A_59 = arith.extui %sign3A_58 : i1 to i32
      %sign3A_60 = arith.constant 0 : i32
      %sign3A_61 = arith.cmpi slt, %multiple_of3A_53, %sign3A_60 : i32
      %sign3A_62 = arith.extui %sign3A_61 : i1 to i32
      %sign3A_63 = arith.subi %sign3A_59, %sign3A_62 : i32
      %sign3A_64 = arith.constant 0 : i32
      %sign3A_65 = arith.cmpi sgt, %jit3A, %sign3A_64 : i32
      %sign3A_66 = arith.extui %sign3A_65 : i1 to i32
      %sign3A_67 = arith.constant 0 : i32
      %sign3A_68 = arith.cmpi slt, %jit3A, %sign3A_67 : i32
      %sign3A_69 = arith.extui %sign3A_68 : i1 to i32
      %sign3A_70 = arith.subi %sign3A_66, %sign3A_69 : i32
      %ne3A = arith.cmpi ne, %sign3A_63, %sign3A_70 : i32
      %rem3A = arith.remsi %multiple_of3A_53, %jit3A : i32
      %ne3A_71 = arith.constant 0 : i32
      %ne3A_72 = arith.cmpi ne, %rem3A, %ne3A_71 : i32
      %and3A = arith.andi %ne3A, %ne3A_72 : i1
      %sub3A = arith.constant 1 : i32
      %sub3A_73 = arith.subi %div3A, %sub3A : i32
      %select_n3A = arith.select %and3A, %sub3A_73, %div3A : i32
      %multiple_of3A_74 = tpu.assume_multiple %select_n3A, 128 : i32
      %dma_start3A_75 = tpu.memref_slice %arg4[%multiple_of3A_74] : memref<307200xf32, #tpu.memory_space<hbm>> -> memref<128xf32, #tpu.memory_space<hbm>>
      %dma_start3A_76 = tpu.memref_slice %arg4[%multiple_of3A_74] : memref<307200xf32, #tpu.memory_space<hbm>> -> memref<128xf32, #tpu.memory_space<hbm>>
      tpu.enqueue_dma source(%dma_start3A_76 : memref<128xf32, #tpu.memory_space<hbm>>) target(%arg21 : memref<128xf32, #tpu.memory_space<vmem>>) target_semaphore(%arg28 : memref<!tpu.dma_semaphore, #tpu.memory_space<semaphore_mem>>)
      %add3A_77 = arith.constant 1024 : i32
      %add3A_78 = arith.addi %mul3A_0, %add3A_77 : i32
      %multiple_of3A_79 = tpu.assume_multiple %add3A_78, 1024 : i32
      %dma_start3A_80 = tpu.memref_slice %arg2[%multiple_of3A_79] : memref<2457600xi32, #tpu.memory_space<hbm>> -> memref<1024xi32, #tpu.memory_space<hbm>>
      %dma_start3A_81 = tpu.memref_slice %arg2[%multiple_of3A_79] : memref<2457600xi32, #tpu.memory_space<hbm>> -> memref<1024xi32, #tpu.memory_space<hbm>>
      tpu.enqueue_dma source(%dma_start3A_81 : memref<1024xi32, #tpu.memory_space<hbm>>) target(%arg18 : memref<1024xi32, #tpu.memory_space<vmem>>) target_semaphore(%arg29 : memref<!tpu.dma_semaphore, #tpu.memory_space<semaphore_mem>>)
      %dma_start3A_82 = tpu.memref_slice %arg3[%multiple_of3A_79] : memref<2457600xf32, #tpu.memory_space<hbm>> -> memref<1024xf32, #tpu.memory_space<hbm>>
      %dma_start3A_83 = tpu.memref_slice %arg3[%multiple_of3A_79] : memref<2457600xf32, #tpu.memory_space<hbm>> -> memref<1024xf32, #tpu.memory_space<hbm>>
      tpu.enqueue_dma source(%dma_start3A_83 : memref<1024xf32, #tpu.memory_space<hbm>>) target(%arg20 : memref<1024xf32, #tpu.memory_space<vmem>>) target_semaphore(%arg29 : memref<!tpu.dma_semaphore, #tpu.memory_space<semaphore_mem>>)
      %jit3A_84 = arith.constant 8 : i32
      %div3A_85 = arith.divsi %multiple_of3A_79, %jit3A_84 : i32
      %sign3A_86 = arith.constant 0 : i32
      %sign3A_87 = arith.cmpi sgt, %multiple_of3A_79, %sign3A_86 : i32
      %sign3A_88 = arith.extui %sign3A_87 : i1 to i32
      %sign3A_89 = arith.constant 0 : i32
      %sign3A_90 = arith.cmpi slt, %multiple_of3A_79, %sign3A_89 : i32
      %sign3A_91 = arith.extui %sign3A_90 : i1 to i32
      %sign3A_92 = arith.subi %sign3A_88, %sign3A_91 : i32
      %sign3A_93 = arith.constant 0 : i32
      %sign3A_94 = arith.cmpi sgt, %jit3A_84, %sign3A_93 : i32
      %sign3A_95 = arith.extui %sign3A_94 : i1 to i32
      %sign3A_96 = arith.constant 0 : i32
      %sign3A_97 = arith.cmpi slt, %jit3A_84, %sign3A_96 : i32
      %sign3A_98 = arith.extui %sign3A_97 : i1 to i32
      %sign3A_99 = arith.subi %sign3A_95, %sign3A_98 : i32
      %ne3A_100 = arith.cmpi ne, %sign3A_92, %sign3A_99 : i32
      %rem3A_101 = arith.remsi %multiple_of3A_79, %jit3A_84 : i32
      %ne3A_102 = arith.constant 0 : i32
      %ne3A_103 = arith.cmpi ne, %rem3A_101, %ne3A_102 : i32
      %and3A_104 = arith.andi %ne3A_100, %ne3A_103 : i1
      %sub3A_105 = arith.constant 1 : i32
      %sub3A_106 = arith.subi %div3A_85, %sub3A_105 : i32
      %select_n3A_107 = arith.select %and3A_104, %sub3A_106, %div3A_85 : i32
      %multiple_of3A_108 = tpu.assume_multiple %select_n3A_107, 128 : i32
      %dma_start3A_109 = tpu.memref_slice %arg4[%multiple_of3A_108] : memref<307200xf32, #tpu.memory_space<hbm>> -> memref<128xf32, #tpu.memory_space<hbm>>
      %dma_start3A_110 = tpu.memref_slice %arg4[%multiple_of3A_108] : memref<307200xf32, #tpu.memory_space<hbm>> -> memref<128xf32, #tpu.memory_space<hbm>>
      tpu.enqueue_dma source(%dma_start3A_110 : memref<128xf32, #tpu.memory_space<hbm>>) target(%arg22 : memref<128xf32, #tpu.memory_space<vmem>>) target_semaphore(%arg29 : memref<!tpu.dma_semaphore, #tpu.memory_space<semaphore_mem>>)
      %scan3A_111 = arith.constant 0 : i32
      %scan3A_112 = arith.constant 0 : i32
      %scan3A_113 = arith.constant 75 : i32
      %scan3A_114 = arith.addi %scan3A_112, %scan3A_113 : i32
      %scan3A_115 = arith.constant 1 : i32
      %scan3A_116 = scf.for %scan3A_172 = %scan3A_112 to %scan3A_114 step %scan3A_115 iter_args(%scan3A_173 = %scan3A_111) -> (i32)  : i32 {
        %mul3A_174 = arith.constant 2 : i32
        %mul3A_175 = arith.muli %scan3A_172, %mul3A_174 : i32
        %add3A_176 = arith.constant 0 : i32
        %add3A_177 = arith.addi %mul3A_175, %add3A_176 : i32
        %gt3A = arith.constant 3072 : i32
        %gt3A_178 = arith.cmpi sgt, %scan3A_173, %gt3A : i32
        %convert_element_type3A = arith.extui %gt3A_178 : i1 to i32
        %cond3A = arith.constant 0 : i32
        %cond3A_179 = arith.cmpi ne, %convert_element_type3A, %cond3A : i32
        scf.if %cond3A_179 {
          "tpu.region"() ({
            %run_scoped3A = tpu.sem_alloc : memref<!tpu.dma_semaphore, #tpu.memory_space<semaphore_mem>>
            %dma_start3A_247 = arith.constant 0 : i32
            %dma_start3A_248 = tpu.memref_slice %arg9[%dma_start3A_247] : memref<800512xf32, #tpu.memory_space<vmem_shared>> -> memref<800512xf32, #tpu.memory_space<vmem_shared>>
            tpu.enqueue_indirect_dma source(%arg24 : memref<4096xf32, #tpu.memory_space<vmem>>) target(%dma_start3A_248 : memref<800512xf32, #tpu.memory_space<vmem_shared>>) offsets(%arg23 : memref<4096xi32, #tpu.memory_space<vmem>>) semaphore(%run_scoped3A : memref<!tpu.dma_semaphore, #tpu.memory_space<semaphore_mem>>) {add = true}
            %dma_wait3A_249 = arith.constant 0 : i32
            %dma_wait3A_250 = tpu.memref_slice %arg9[%dma_wait3A_249] : memref<800512xf32, #tpu.memory_space<vmem_shared>> -> memref<800512xf32, #tpu.memory_space<vmem_shared>>
            tpu.wait_indirect_dma semaphore(%run_scoped3A : memref<!tpu.dma_semaphore, #tpu.memory_space<semaphore_mem>>) src(%arg24 : memref<4096xf32, #tpu.memory_space<vmem>>) dst(%dma_wait3A_250 : memref<800512xf32, #tpu.memory_space<vmem_shared>>)
            tpu.yield
          }) : () -> ()
          "tpu.region"() ({
            %run_scoped3A = tpu.sem_alloc : memref<!tpu.dma_semaphore, #tpu.memory_space<semaphore_mem>>
            %dma_start3A_247 = arith.constant 0 : i32
            %dma_start3A_248 = tpu.memref_slice %arg10[%dma_start3A_247] : memref<800512xf32, #tpu.memory_space<vmem_shared>> -> memref<800512xf32, #tpu.memory_space<vmem_shared>>
            tpu.enqueue_indirect_dma source(%arg25 : memref<4096xf32, #tpu.memory_space<vmem>>) target(%dma_start3A_248 : memref<800512xf32, #tpu.memory_space<vmem_shared>>) offsets(%arg23 : memref<4096xi32, #tpu.memory_space<vmem>>) semaphore(%run_scoped3A : memref<!tpu.dma_semaphore, #tpu.memory_space<semaphore_mem>>) {add = true}
            %dma_wait3A_249 = arith.constant 0 : i32
            %dma_wait3A_250 = tpu.memref_slice %arg10[%dma_wait3A_249] : memref<800512xf32, #tpu.memory_space<vmem_shared>> -> memref<800512xf32, #tpu.memory_space<vmem_shared>>
            tpu.wait_indirect_dma semaphore(%run_scoped3A : memref<!tpu.dma_semaphore, #tpu.memory_space<semaphore_mem>>) src(%arg25 : memref<4096xf32, #tpu.memory_space<vmem>>) dst(%dma_wait3A_250 : memref<800512xf32, #tpu.memory_space<vmem_shared>>)
            tpu.yield
          }) : () -> ()
          %scan3A_242 = arith.constant 0 : i32
          %scan3A_243 = arith.constant 256 : i32
          %scan3A_244 = arith.addi %scan3A_242, %scan3A_243 : i32
          %scan3A_245 = arith.constant 1 : i32
          scf.for %scan3A_247 = %scan3A_242 to %scan3A_244 step %scan3A_245  : i32 {
            %mul3A_248 = arith.constant 16 : i32
            %mul3A_249 = arith.muli %scan3A_247, %mul3A_248 : i32
            %add3A_250 = vector.broadcast %mul3A_249 : i32 to vector<16xi32>
            %add3A_251 = arith.addi %add3A_250, %iota3A : vector<16xi32>
            %and3A_252 = arith.constant 511 : i32
            %and3A_253 = vector.broadcast %and3A_252 : i32 to vector<16xi32>
            %and3A_254 = arith.andi %add3A_251, %and3A_253 : vector<16xi32>
            %add3A_255 = arith.constant 800000 : i32
            %add3A_256 = vector.broadcast %add3A_255 : i32 to vector<16xi32>
            %add3A_257 = arith.addi %add3A_256, %and3A_254 : vector<16xi32>
            %mul3A_258 = arith.constant 16 : i32
            %mul3A_259 = arith.muli %scan3A_247, %mul3A_258 : i32
            %swap3A = arith.index_cast %mul3A_259 : i32 to index
            %swap3A_260 = tpu.vector_load %arg23[%swap3A] {strides = array<i32>} : memref<4096xi32, #tpu.memory_space<vmem>>, vector<16xi32>,
            tpu.vector_store %arg23[%swap3A], %add3A_257 {strides = array<i32>} : memref<4096xi32, #tpu.memory_space<vmem>>, vector<16xi32>,
          }
          %scan3A_246 = arith.constant 256 : i32
        } else {
        }
        %jit3A_180 = arith.constant 0 : i32
        %select_n3A_181 = arith.select %gt3A_178, %jit3A_180, %scan3A_173 : i32
        %dma_wait3A_182 = arith.constant 0 : i32
        %dma_wait3A_183 = tpu.memref_slice %arg2[%dma_wait3A_182] : memref<2457600xi32, #tpu.memory_space<hbm>> -> memref<1024xi32, #tpu.memory_space<hbm>>
        %dma_wait3A_184 = arith.constant 0 : i32
        %dma_wait3A_185 = tpu.memref_slice %arg2[%dma_wait3A_184] : memref<2457600xi32, #tpu.memory_space<hbm>> -> memref<1024xi32, #tpu.memory_space<hbm>>
        tpu.wait_dma2 semaphore(%arg28 : memref<!tpu.dma_semaphore, #tpu.memory_space<semaphore_mem>>) src(%dma_wait3A_185 : memref<1024xi32, #tpu.memory_space<hbm>>) dst(%arg17 : memref<1024xi32, #tpu.memory_space<vmem>>)
        %dma_wait3A_186 = arith.constant 0 : i32
        %dma_wait3A_187 = tpu.memref_slice %arg3[%dma_wait3A_186] : memref<2457600xf32, #tpu.memory_space<hbm>> -> memref<1024xf32, #tpu.memory_space<hbm>>
        %dma_wait3A_188 = arith.constant 0 : i32
        %dma_wait3A_189 = tpu.memref_slice %arg3[%dma_wait3A_188] : memref<2457600xf32, #tpu.memory_space<hbm>> -> memref<1024xf32, #tpu.memory_space<hbm>>
        tpu.wait_dma2 semaphore(%arg28 : memref<!tpu.dma_semaphore, #tpu.memory_space<semaphore_mem>>) src(%dma_wait3A_189 : memref<1024xf32, #tpu.memory_space<hbm>>) dst(%arg19 : memref<1024xf32, #tpu.memory_space<vmem>>)
        %dma_wait3A_190 = arith.constant 0 : i32
        %dma_wait3A_191 = tpu.memref_slice %arg4[%dma_wait3A_190] : memref<307200xf32, #tpu.memory_space<hbm>> -> memref<128xf32, #tpu.memory_space<hbm>>
        %dma_wait3A_192 = arith.constant 0 : i32
        %dma_wait3A_193 = tpu.memref_slice %arg4[%dma_wait3A_192] : memref<307200xf32, #tpu.memory_space<hbm>> -> memref<128xf32, #tpu.memory_space<hbm>>
        tpu.wait_dma2 semaphore(%arg28 : memref<!tpu.dma_semaphore, #tpu.memory_space<semaphore_mem>>) src(%dma_wait3A_193 : memref<128xf32, #tpu.memory_space<hbm>>) dst(%arg21 : memref<128xf32, #tpu.memory_space<vmem>>)
        %scan3A_194 = arith.constant 0 : i32
        %scan3A_195 = arith.constant 64 : i32
        %scan3A_196 = arith.addi %scan3A_194, %scan3A_195 : i32
        %scan3A_197 = arith.constant 1 : i32
        %scan3A_198 = scf.for %scan3A_242 = %scan3A_194 to %scan3A_196 step %scan3A_197 iter_args(%scan3A_243 = %select_n3A_181) -> (i32)  : i32 {
          %mul3A_244 = arith.constant 16 : i32
          %mul3A_245 = arith.muli %scan3A_242, %mul3A_244 : i32
          %get3A = arith.index_cast %mul3A_245 : i32 to index
          %get3A_246 = tpu.vector_load %arg17[%get3A] {strides = array<i32>} : memref<1024xi32, #tpu.memory_space<vmem>>, vector<16xi32>,
          %sub3A_247 = vector.broadcast %mul3A_14 : i32 to vector<16xi32>
          %sub3A_248 = arith.subi %get3A_246, %sub3A_247 : vector<16xi32>
          %ge3A = arith.constant 0 : i32
          %ge3A_249 = vector.broadcast %ge3A : i32 to vector<16xi32>
          %ge3A_250 = arith.cmpi sge, %sub3A_248, %ge3A_249 : vector<16xi32>
          %lt3A_251 = arith.constant 800000 : i32
          %lt3A_252 = vector.broadcast %lt3A_251 : i32 to vector<16xi32>
          %lt3A_253 = arith.cmpi slt, %sub3A_248, %lt3A_252 : vector<16xi32>
          %and3A_254 = arith.andi %ge3A_250, %lt3A_253 : vector<16xi1>
          %mul3A_255 = arith.constant 16 : i32
          %mul3A_256 = arith.muli %scan3A_242, %mul3A_255 : i32
          %get3A_257 = arith.index_cast %mul3A_256 : i32 to index
          %get3A_258 = tpu.vector_load %arg19[%get3A_257] {strides = array<i32>} : memref<1024xf32, #tpu.memory_space<vmem>>, vector<16xf32>,
          %mul3A_259 = arith.constant 2 : i32
          %mul3A_260 = arith.muli %mul3A_259, %scan3A_242 : i32
          %shift_right_arithmetic3A = arith.constant 3 : i32
          %shift_right_arithmetic3A_261 = vector.broadcast %shift_right_arithmetic3A : i32 to vector<16xi32>
          %shift_right_arithmetic3A_262 = arith.shrsi %iota3A, %shift_right_arithmetic3A_261 : vector<16xi32>
          %add3A_263 = vector.broadcast %mul3A_260 : i32 to vector<16xi32>
          %add3A_264 = arith.addi %add3A_263, %shift_right_arithmetic3A_262 : vector<16xi32>
          %gather3A = tpu.vector_load_idx %arg21[%add3A_264] : memref<128xf32, #tpu.memory_space<vmem>>[vector<16xi32>], vector<16xf32>,
          %mul3A_265 = arith.mulf %get3A_258, %gather3A : vector<16xf32>
          %convert_element_type3A_266 = arith.extui %and3A_254 : vector<16xi1> to vector<16xi32>
          %reduce_sum3A = arith.constant true
          %reduce_sum3A_267 = vector.broadcast %reduce_sum3A : i1 to vector<16xi1>
          %reduce_sum3A_268 = tpu.scan <sum>, %convert_element_type3A_266 masked %reduce_sum3A_267 : vector<16xi32>, vector<16xi1> -> vector<16xi32>
          %reduce_sum3A_269 = vector.extract %reduce_sum3A_268[15] : i32 from vector<16xi32>
          %swap3A = arith.index_cast %scan3A_243 : i32 to index
          %swap3A_270 = tpu.vector_load %arg23[%swap3A] masked %and3A_254 {strides = array<i32>} : memref<4096xi32, #tpu.memory_space<vmem>>, vector<16xi32>, vector<16xi1>
          tpu.vector_store %arg23[%swap3A], %sub3A_248 masked %and3A_254 {strides = array<i32>} : memref<4096xi32, #tpu.memory_space<vmem>>, vector<16xi32>, vector<16xi1>
          %swap3A_271 = arith.index_cast %scan3A_243 : i32 to index
          %swap3A_272 = tpu.vector_load %arg24[%swap3A_271] masked %and3A_254 {strides = array<i32>} : memref<4096xf32, #tpu.memory_space<vmem>>, vector<16xf32>, vector<16xi1>
          tpu.vector_store %arg24[%swap3A_271], %get3A_258 masked %and3A_254 {strides = array<i32>} : memref<4096xf32, #tpu.memory_space<vmem>>, vector<16xf32>, vector<16xi1>
          %swap3A_273 = arith.index_cast %scan3A_243 : i32 to index
          %swap3A_274 = tpu.vector_load %arg25[%swap3A_273] masked %and3A_254 {strides = array<i32>} : memref<4096xf32, #tpu.memory_space<vmem>>, vector<16xf32>, vector<16xi1>
          tpu.vector_store %arg25[%swap3A_273], %mul3A_265 masked %and3A_254 {strides = array<i32>} : memref<4096xf32, #tpu.memory_space<vmem>>, vector<16xf32>, vector<16xi1>
          %add3A_275 = arith.addi %scan3A_243, %reduce_sum3A_269 : i32
          scf.yield %add3A_275 : i32
        }
        %scan3A_199 = arith.constant 64 : i32
        %add3A_200 = arith.constant 2 : i32
        %add3A_201 = arith.addi %add3A_177, %add3A_200 : i32
        %lt3A = arith.constant 150 : i32
        %lt3A_202 = arith.cmpi slt, %add3A_201, %lt3A : i32
        %convert_element_type3A_203 = arith.extui %lt3A_202 : i1 to i32
        %cond3A_204 = arith.constant 0 : i32
        %cond3A_205 = arith.cmpi ne, %convert_element_type3A_203, %cond3A_204 : i32
        scf.if %cond3A_205 {
          %add3A_242 = arith.constant 2 : i32
          %add3A_243 = arith.addi %add3A_177, %add3A_242 : i32
          %mul3A_244 = arith.constant 1024 : i32
          %mul3A_245 = arith.muli %add3A_243, %mul3A_244 : i32
          %add3A_246 = arith.addi %mul3A_0, %mul3A_245 : i32
          %multiple_of3A_247 = tpu.assume_multiple %add3A_246, 1024 : i32
          %dma_start3A_248 = tpu.memref_slice %arg2[%multiple_of3A_247] : memref<2457600xi32, #tpu.memory_space<hbm>> -> memref<1024xi32, #tpu.memory_space<hbm>>
          %dma_start3A_249 = tpu.memref_slice %arg2[%multiple_of3A_247] : memref<2457600xi32, #tpu.memory_space<hbm>> -> memref<1024xi32, #tpu.memory_space<hbm>>
          tpu.enqueue_dma source(%dma_start3A_249 : memref<1024xi32, #tpu.memory_space<hbm>>) target(%arg17 : memref<1024xi32, #tpu.memory_space<vmem>>) target_semaphore(%arg28 : memref<!tpu.dma_semaphore, #tpu.memory_space<semaphore_mem>>)
          %dma_start3A_250 = tpu.memref_slice %arg3[%multiple_of3A_247] : memref<2457600xf32, #tpu.memory_space<hbm>> -> memref<1024xf32, #tpu.memory_space<hbm>>
          %dma_start3A_251 = tpu.memref_slice %arg3[%multiple_of3A_247] : memref<2457600xf32, #tpu.memory_space<hbm>> -> memref<1024xf32, #tpu.memory_space<hbm>>
          tpu.enqueue_dma source(%dma_start3A_251 : memref<1024xf32, #tpu.memory_space<hbm>>) target(%arg19 : memref<1024xf32, #tpu.memory_space<vmem>>) target_semaphore(%arg28 : memref<!tpu.dma_semaphore, #tpu.memory_space<semaphore_mem>>)
          %jit3A_252 = arith.constant 8 : i32
          %div3A_253 = arith.divsi %multiple_of3A_247, %jit3A_252 : i32
          %sign3A_254 = arith.constant 0 : i32
          %sign3A_255 = arith.cmpi sgt, %multiple_of3A_247, %sign3A_254 : i32
          %sign3A_256 = arith.extui %sign3A_255 : i1 to i32
          %sign3A_257 = arith.constant 0 : i32
          %sign3A_258 = arith.cmpi slt, %multiple_of3A_247, %sign3A_257 : i32
          %sign3A_259 = arith.extui %sign3A_258 : i1 to i32
          %sign3A_260 = arith.subi %sign3A_256, %sign3A_259 : i32
          %sign3A_261 = arith.constant 0 : i32
          %sign3A_262 = arith.cmpi sgt, %jit3A_252, %sign3A_261 : i32
          %sign3A_263 = arith.extui %sign3A_262 : i1 to i32
          %sign3A_264 = arith.constant 0 : i32
          %sign3A_265 = arith.cmpi slt, %jit3A_252, %sign3A_264 : i32
          %sign3A_266 = arith.extui %sign3A_265 : i1 to i32
          %sign3A_267 = arith.subi %sign3A_263, %sign3A_266 : i32
          %ne3A_268 = arith.cmpi ne, %sign3A_260, %sign3A_267 : i32
          %rem3A_269 = arith.remsi %multiple_of3A_247, %jit3A_252 : i32
          %ne3A_270 = arith.constant 0 : i32
          %ne3A_271 = arith.cmpi ne, %rem3A_269, %ne3A_270 : i32
          %and3A_272 = arith.andi %ne3A_268, %ne3A_271 : i1
          %sub3A_273 = arith.constant 1 : i32
          %sub3A_274 = arith.subi %div3A_253, %sub3A_273 : i32
          %select_n3A_275 = arith.select %and3A_272, %sub3A_274, %div3A_253 : i32
          %multiple_of3A_276 = tpu.assume_multiple %select_n3A_275, 128 : i32
          %dma_start3A_277 = tpu.memref_slice %arg4[%multiple_of3A_276] : memref<307200xf32, #tpu.memory_space<hbm>> -> memref<128xf32, #tpu.memory_space<hbm>>
          %dma_start3A_278 = tpu.memref_slice %arg4[%multiple_of3A_276] : memref<307200xf32, #tpu.memory_space<hbm>> -> memref<128xf32, #tpu.memory_space<hbm>>
          tpu.enqueue_dma source(%dma_start3A_278 : memref<128xf32, #tpu.memory_space<hbm>>) target(%arg21 : memref<128xf32, #tpu.memory_space<vmem>>) target_semaphore(%arg28 : memref<!tpu.dma_semaphore, #tpu.memory_space<semaphore_mem>>)
        } else {
        }
        %mul3A_206 = arith.constant 2 : i32
        %mul3A_207 = arith.muli %scan3A_172, %mul3A_206 : i32
        %add3A_208 = arith.constant 1 : i32
        %add3A_209 = arith.addi %mul3A_207, %add3A_208 : i32
        %gt3A_210 = arith.constant 3072 : i32
        %gt3A_211 = arith.cmpi sgt, %scan3A_198, %gt3A_210 : i32
        %convert_element_type3A_212 = arith.extui %gt3A_211 : i1 to i32
        %cond3A_213 = arith.constant 0 : i32
        %cond3A_214 = arith.cmpi ne, %convert_element_type3A_212, %cond3A_213 : i32
        scf.if %cond3A_214 {
          "tpu.region"() ({
            %run_scoped3A = tpu.sem_alloc : memref<!tpu.dma_semaphore, #tpu.memory_space<semaphore_mem>>
            %dma_start3A_247 = arith.constant 0 : i32
            %dma_start3A_248 = tpu.memref_slice %arg9[%dma_start3A_247] : memref<800512xf32, #tpu.memory_space<vmem_shared>> -> memref<800512xf32, #tpu.memory_space<vmem_shared>>
            tpu.enqueue_indirect_dma source(%arg24 : memref<4096xf32, #tpu.memory_space<vmem>>) target(%dma_start3A_248 : memref<800512xf32, #tpu.memory_space<vmem_shared>>) offsets(%arg23 : memref<4096xi32, #tpu.memory_space<vmem>>) semaphore(%run_scoped3A : memref<!tpu.dma_semaphore, #tpu.memory_space<semaphore_mem>>) {add = true}
            %dma_wait3A_249 = arith.constant 0 : i32
            %dma_wait3A_250 = tpu.memref_slice %arg9[%dma_wait3A_249] : memref<800512xf32, #tpu.memory_space<vmem_shared>> -> memref<800512xf32, #tpu.memory_space<vmem_shared>>
            tpu.wait_indirect_dma semaphore(%run_scoped3A : memref<!tpu.dma_semaphore, #tpu.memory_space<semaphore_mem>>) src(%arg24 : memref<4096xf32, #tpu.memory_space<vmem>>) dst(%dma_wait3A_250 : memref<800512xf32, #tpu.memory_space<vmem_shared>>)
            tpu.yield
          }) : () -> ()
          "tpu.region"() ({
            %run_scoped3A = tpu.sem_alloc : memref<!tpu.dma_semaphore, #tpu.memory_space<semaphore_mem>>
            %dma_start3A_247 = arith.constant 0 : i32
            %dma_start3A_248 = tpu.memref_slice %arg10[%dma_start3A_247] : memref<800512xf32, #tpu.memory_space<vmem_shared>> -> memref<800512xf32, #tpu.memory_space<vmem_shared>>
            tpu.enqueue_indirect_dma source(%arg25 : memref<4096xf32, #tpu.memory_space<vmem>>) target(%dma_start3A_248 : memref<800512xf32, #tpu.memory_space<vmem_shared>>) offsets(%arg23 : memref<4096xi32, #tpu.memory_space<vmem>>) semaphore(%run_scoped3A : memref<!tpu.dma_semaphore, #tpu.memory_space<semaphore_mem>>) {add = true}
            %dma_wait3A_249 = arith.constant 0 : i32
            %dma_wait3A_250 = tpu.memref_slice %arg10[%dma_wait3A_249] : memref<800512xf32, #tpu.memory_space<vmem_shared>> -> memref<800512xf32, #tpu.memory_space<vmem_shared>>
            tpu.wait_indirect_dma semaphore(%run_scoped3A : memref<!tpu.dma_semaphore, #tpu.memory_space<semaphore_mem>>) src(%arg25 : memref<4096xf32, #tpu.memory_space<vmem>>) dst(%dma_wait3A_250 : memref<800512xf32, #tpu.memory_space<vmem_shared>>)
            tpu.yield
          }) : () -> ()
          %scan3A_242 = arith.constant 0 : i32
          %scan3A_243 = arith.constant 256 : i32
          %scan3A_244 = arith.addi %scan3A_242, %scan3A_243 : i32
          %scan3A_245 = arith.constant 1 : i32
          scf.for %scan3A_247 = %scan3A_242 to %scan3A_244 step %scan3A_245  : i32 {
            %mul3A_248 = arith.constant 16 : i32
            %mul3A_249 = arith.muli %scan3A_247, %mul3A_248 : i32
            %add3A_250 = vector.broadcast %mul3A_249 : i32 to vector<16xi32>
            %add3A_251 = arith.addi %add3A_250, %iota3A : vector<16xi32>
            %and3A_252 = arith.constant 511 : i32
            %and3A_253 = vector.broadcast %and3A_252 : i32 to vector<16xi32>
            %and3A_254 = arith.andi %add3A_251, %and3A_253 : vector<16xi32>
            %add3A_255 = arith.constant 800000 : i32
            %add3A_256 = vector.broadcast %add3A_255 : i32 to vector<16xi32>
            %add3A_257 = arith.addi %add3A_256, %and3A_254 : vector<16xi32>
            %mul3A_258 = arith.constant 16 : i32
            %mul3A_259 = arith.muli %scan3A_247, %mul3A_258 : i32
            %swap3A = arith.index_cast %mul3A_259 : i32 to index
            %swap3A_260 = tpu.vector_load %arg23[%swap3A] {strides = array<i32>} : memref<4096xi32, #tpu.memory_space<vmem>>, vector<16xi32>,
            tpu.vector_store %arg23[%swap3A], %add3A_257 {strides = array<i32>} : memref<4096xi32, #tpu.memory_space<vmem>>, vector<16xi32>,
          }
          %scan3A_246 = arith.constant 256 : i32
        } else {
        }
        %jit3A_215 = arith.constant 0 : i32
        %select_n3A_216 = arith.select %gt3A_211, %jit3A_215, %scan3A_198 : i32
        %dma_wait3A_217 = arith.constant 0 : i32
        %dma_wait3A_218 = tpu.memref_slice %arg2[%dma_wait3A_217] : memref<2457600xi32, #tpu.memory_space<hbm>> -> memref<1024xi32, #tpu.memory_space<hbm>>
        %dma_wait3A_219 = arith.constant 0 : i32
        %dma_wait3A_220 = tpu.memref_slice %arg2[%dma_wait3A_219] : memref<2457600xi32, #tpu.memory_space<hbm>> -> memref<1024xi32, #tpu.memory_space<hbm>>
        tpu.wait_dma2 semaphore(%arg29 : memref<!tpu.dma_semaphore, #tpu.memory_space<semaphore_mem>>) src(%dma_wait3A_220 : memref<1024xi32, #tpu.memory_space<hbm>>) dst(%arg18 : memref<1024xi32, #tpu.memory_space<vmem>>)
        %dma_wait3A_221 = arith.constant 0 : i32
        %dma_wait3A_222 = tpu.memref_slice %arg3[%dma_wait3A_221] : memref<2457600xf32, #tpu.memory_space<hbm>> -> memref<1024xf32, #tpu.memory_space<hbm>>
        %dma_wait3A_223 = arith.constant 0 : i32
        %dma_wait3A_224 = tpu.memref_slice %arg3[%dma_wait3A_223] : memref<2457600xf32, #tpu.memory_space<hbm>> -> memref<1024xf32, #tpu.memory_space<hbm>>
        tpu.wait_dma2 semaphore(%arg29 : memref<!tpu.dma_semaphore, #tpu.memory_space<semaphore_mem>>) src(%dma_wait3A_224 : memref<1024xf32, #tpu.memory_space<hbm>>) dst(%arg20 : memref<1024xf32, #tpu.memory_space<vmem>>)
        %dma_wait3A_225 = arith.constant 0 : i32
        %dma_wait3A_226 = tpu.memref_slice %arg4[%dma_wait3A_225] : memref<307200xf32, #tpu.memory_space<hbm>> -> memref<128xf32, #tpu.memory_space<hbm>>
        %dma_wait3A_227 = arith.constant 0 : i32
        %dma_wait3A_228 = tpu.memref_slice %arg4[%dma_wait3A_227] : memref<307200xf32, #tpu.memory_space<hbm>> -> memref<128xf32, #tpu.memory_space<hbm>>
        tpu.wait_dma2 semaphore(%arg29 : memref<!tpu.dma_semaphore, #tpu.memory_space<semaphore_mem>>) src(%dma_wait3A_228 : memref<128xf32, #tpu.memory_space<hbm>>) dst(%arg22 : memref<128xf32, #tpu.memory_space<vmem>>)
        %scan3A_229 = arith.constant 0 : i32
        %scan3A_230 = arith.constant 64 : i32
        %scan3A_231 = arith.addi %scan3A_229, %scan3A_230 : i32
        %scan3A_232 = arith.constant 1 : i32
        %scan3A_233 = scf.for %scan3A_242 = %scan3A_229 to %scan3A_231 step %scan3A_232 iter_args(%scan3A_243 = %select_n3A_216) -> (i32)  : i32 {
          %mul3A_244 = arith.constant 16 : i32
          %mul3A_245 = arith.muli %scan3A_242, %mul3A_244 : i32
          %get3A = arith.index_cast %mul3A_245 : i32 to index
          %get3A_246 = tpu.vector_load %arg18[%get3A] {strides = array<i32>} : memref<1024xi32, #tpu.memory_space<vmem>>, vector<16xi32>,
          %sub3A_247 = vector.broadcast %mul3A_14 : i32 to vector<16xi32>
          %sub3A_248 = arith.subi %get3A_246, %sub3A_247 : vector<16xi32>
          %ge3A = arith.constant 0 : i32
          %ge3A_249 = vector.broadcast %ge3A : i32 to vector<16xi32>
          %ge3A_250 = arith.cmpi sge, %sub3A_248, %ge3A_249 : vector<16xi32>
          %lt3A_251 = arith.constant 800000 : i32
          %lt3A_252 = vector.broadcast %lt3A_251 : i32 to vector<16xi32>
          %lt3A_253 = arith.cmpi slt, %sub3A_248, %lt3A_252 : vector<16xi32>
          %and3A_254 = arith.andi %ge3A_250, %lt3A_253 : vector<16xi1>
          %mul3A_255 = arith.constant 16 : i32
          %mul3A_256 = arith.muli %scan3A_242, %mul3A_255 : i32
          %get3A_257 = arith.index_cast %mul3A_256 : i32 to index
          %get3A_258 = tpu.vector_load %arg20[%get3A_257] {strides = array<i32>} : memref<1024xf32, #tpu.memory_space<vmem>>, vector<16xf32>,
          %mul3A_259 = arith.constant 2 : i32
          %mul3A_260 = arith.muli %mul3A_259, %scan3A_242 : i32
          %shift_right_arithmetic3A = arith.constant 3 : i32
          %shift_right_arithmetic3A_261 = vector.broadcast %shift_right_arithmetic3A : i32 to vector<16xi32>
          %shift_right_arithmetic3A_262 = arith.shrsi %iota3A, %shift_right_arithmetic3A_261 : vector<16xi32>
          %add3A_263 = vector.broadcast %mul3A_260 : i32 to vector<16xi32>
          %add3A_264 = arith.addi %add3A_263, %shift_right_arithmetic3A_262 : vector<16xi32>
          %gather3A = tpu.vector_load_idx %arg22[%add3A_264] : memref<128xf32, #tpu.memory_space<vmem>>[vector<16xi32>], vector<16xf32>,
          %mul3A_265 = arith.mulf %get3A_258, %gather3A : vector<16xf32>
          %convert_element_type3A_266 = arith.extui %and3A_254 : vector<16xi1> to vector<16xi32>
          %reduce_sum3A = arith.constant true
          %reduce_sum3A_267 = vector.broadcast %reduce_sum3A : i1 to vector<16xi1>
          %reduce_sum3A_268 = tpu.scan <sum>, %convert_element_type3A_266 masked %reduce_sum3A_267 : vector<16xi32>, vector<16xi1> -> vector<16xi32>
          %reduce_sum3A_269 = vector.extract %reduce_sum3A_268[15] : i32 from vector<16xi32>
          %swap3A = arith.index_cast %scan3A_243 : i32 to index
          %swap3A_270 = tpu.vector_load %arg23[%swap3A] masked %and3A_254 {strides = array<i32>} : memref<4096xi32, #tpu.memory_space<vmem>>, vector<16xi32>, vector<16xi1>
          tpu.vector_store %arg23[%swap3A], %sub3A_248 masked %and3A_254 {strides = array<i32>} : memref<4096xi32, #tpu.memory_space<vmem>>, vector<16xi32>, vector<16xi1>
          %swap3A_271 = arith.index_cast %scan3A_243 : i32 to index
          %swap3A_272 = tpu.vector_load %arg24[%swap3A_271] masked %and3A_254 {strides = array<i32>} : memref<4096xf32, #tpu.memory_space<vmem>>, vector<16xf32>, vector<16xi1>
          tpu.vector_store %arg24[%swap3A_271], %get3A_258 masked %and3A_254 {strides = array<i32>} : memref<4096xf32, #tpu.memory_space<vmem>>, vector<16xf32>, vector<16xi1>
          %swap3A_273 = arith.index_cast %scan3A_243 : i32 to index
          %swap3A_274 = tpu.vector_load %arg25[%swap3A_273] masked %and3A_254 {strides = array<i32>} : memref<4096xf32, #tpu.memory_space<vmem>>, vector<16xf32>, vector<16xi1>
          tpu.vector_store %arg25[%swap3A_273], %mul3A_265 masked %and3A_254 {strides = array<i32>} : memref<4096xf32, #tpu.memory_space<vmem>>, vector<16xf32>, vector<16xi1>
          %add3A_275 = arith.addi %scan3A_243, %reduce_sum3A_269 : i32
          scf.yield %add3A_275 : i32
        }
        %scan3A_234 = arith.constant 64 : i32
        %add3A_235 = arith.constant 2 : i32
        %add3A_236 = arith.addi %add3A_209, %add3A_235 : i32
        %lt3A_237 = arith.constant 150 : i32
        %lt3A_238 = arith.cmpi slt, %add3A_236, %lt3A_237 : i32
        %convert_element_type3A_239 = arith.extui %lt3A_238 : i1 to i32
        %cond3A_240 = arith.constant 0 : i32
        %cond3A_241 = arith.cmpi ne, %convert_element_type3A_239, %cond3A_240 : i32
        scf.if %cond3A_241 {
          %add3A_242 = arith.constant 2 : i32
          %add3A_243 = arith.addi %add3A_209, %add3A_242 : i32
          %mul3A_244 = arith.constant 1024 : i32
          %mul3A_245 = arith.muli %add3A_243, %mul3A_244 : i32
          %add3A_246 = arith.addi %mul3A_0, %mul3A_245 : i32
          %multiple_of3A_247 = tpu.assume_multiple %add3A_246, 1024 : i32
          %dma_start3A_248 = tpu.memref_slice %arg2[%multiple_of3A_247] : memref<2457600xi32, #tpu.memory_space<hbm>> -> memref<1024xi32, #tpu.memory_space<hbm>>
          %dma_start3A_249 = tpu.memref_slice %arg2[%multiple_of3A_247] : memref<2457600xi32, #tpu.memory_space<hbm>> -> memref<1024xi32, #tpu.memory_space<hbm>>
          tpu.enqueue_dma source(%dma_start3A_249 : memref<1024xi32, #tpu.memory_space<hbm>>) target(%arg18 : memref<1024xi32, #tpu.memory_space<vmem>>) target_semaphore(%arg29 : memref<!tpu.dma_semaphore, #tpu.memory_space<semaphore_mem>>)
          %dma_start3A_250 = tpu.memref_slice %arg3[%multiple_of3A_247] : memref<2457600xf32, #tpu.memory_space<hbm>> -> memref<1024xf32, #tpu.memory_space<hbm>>
          %dma_start3A_251 = tpu.memref_slice %arg3[%multiple_of3A_247] : memref<2457600xf32, #tpu.memory_space<hbm>> -> memref<1024xf32, #tpu.memory_space<hbm>>
          tpu.enqueue_dma source(%dma_start3A_251 : memref<1024xf32, #tpu.memory_space<hbm>>) target(%arg20 : memref<1024xf32, #tpu.memory_space<vmem>>) target_semaphore(%arg29 : memref<!tpu.dma_semaphore, #tpu.memory_space<semaphore_mem>>)
          %jit3A_252 = arith.constant 8 : i32
          %div3A_253 = arith.divsi %multiple_of3A_247, %jit3A_252 : i32
          %sign3A_254 = arith.constant 0 : i32
          %sign3A_255 = arith.cmpi sgt, %multiple_of3A_247, %sign3A_254 : i32
          %sign3A_256 = arith.extui %sign3A_255 : i1 to i32
          %sign3A_257 = arith.constant 0 : i32
          %sign3A_258 = arith.cmpi slt, %multiple_of3A_247, %sign3A_257 : i32
          %sign3A_259 = arith.extui %sign3A_258 : i1 to i32
          %sign3A_260 = arith.subi %sign3A_256, %sign3A_259 : i32
          %sign3A_261 = arith.constant 0 : i32
          %sign3A_262 = arith.cmpi sgt, %jit3A_252, %sign3A_261 : i32
          %sign3A_263 = arith.extui %sign3A_262 : i1 to i32
          %sign3A_264 = arith.constant 0 : i32
          %sign3A_265 = arith.cmpi slt, %jit3A_252, %sign3A_264 : i32
          %sign3A_266 = arith.extui %sign3A_265 : i1 to i32
          %sign3A_267 = arith.subi %sign3A_263, %sign3A_266 : i32
          %ne3A_268 = arith.cmpi ne, %sign3A_260, %sign3A_267 : i32
          %rem3A_269 = arith.remsi %multiple_of3A_247, %jit3A_252 : i32
          %ne3A_270 = arith.constant 0 : i32
          %ne3A_271 = arith.cmpi ne, %rem3A_269, %ne3A_270 : i32
          %and3A_272 = arith.andi %ne3A_268, %ne3A_271 : i1
          %sub3A_273 = arith.constant 1 : i32
          %sub3A_274 = arith.subi %div3A_253, %sub3A_273 : i32
          %select_n3A_275 = arith.select %and3A_272, %sub3A_274, %div3A_253 : i32
          %multiple_of3A_276 = tpu.assume_multiple %select_n3A_275, 128 : i32
          %dma_start3A_277 = tpu.memref_slice %arg4[%multiple_of3A_276] : memref<307200xf32, #tpu.memory_space<hbm>> -> memref<128xf32, #tpu.memory_space<hbm>>
          %dma_start3A_278 = tpu.memref_slice %arg4[%multiple_of3A_276] : memref<307200xf32, #tpu.memory_space<hbm>> -> memref<128xf32, #tpu.memory_space<hbm>>
          tpu.enqueue_dma source(%dma_start3A_278 : memref<128xf32, #tpu.memory_space<hbm>>) target(%arg22 : memref<128xf32, #tpu.memory_space<vmem>>) target_semaphore(%arg29 : memref<!tpu.dma_semaphore, #tpu.memory_space<semaphore_mem>>)
        } else {
        }
        scf.yield %scan3A_233 : i32
      }
      %scan3A_117 = arith.constant 75 : i32
      "tpu.region"() ({
        %run_scoped3A = tpu.sem_alloc : memref<!tpu.dma_semaphore, #tpu.memory_space<semaphore_mem>>
        %dma_start3A_172 = arith.constant 0 : i32
        %dma_start3A_173 = tpu.memref_slice %arg9[%dma_start3A_172] : memref<800512xf32, #tpu.memory_space<vmem_shared>> -> memref<800512xf32, #tpu.memory_space<vmem_shared>>
        tpu.enqueue_indirect_dma source(%arg24 : memref<4096xf32, #tpu.memory_space<vmem>>) target(%dma_start3A_173 : memref<800512xf32, #tpu.memory_space<vmem_shared>>) offsets(%arg23 : memref<4096xi32, #tpu.memory_space<vmem>>) semaphore(%run_scoped3A : memref<!tpu.dma_semaphore, #tpu.memory_space<semaphore_mem>>) {add = true}
        %dma_wait3A_174 = arith.constant 0 : i32
        %dma_wait3A_175 = tpu.memref_slice %arg9[%dma_wait3A_174] : memref<800512xf32, #tpu.memory_space<vmem_shared>> -> memref<800512xf32, #tpu.memory_space<vmem_shared>>
        tpu.wait_indirect_dma semaphore(%run_scoped3A : memref<!tpu.dma_semaphore, #tpu.memory_space<semaphore_mem>>) src(%arg24 : memref<4096xf32, #tpu.memory_space<vmem>>) dst(%dma_wait3A_175 : memref<800512xf32, #tpu.memory_space<vmem_shared>>)
        tpu.yield
      }) : () -> ()
      "tpu.region"() ({
        %run_scoped3A = tpu.sem_alloc : memref<!tpu.dma_semaphore, #tpu.memory_space<semaphore_mem>>
        %dma_start3A_172 = arith.constant 0 : i32
        %dma_start3A_173 = tpu.memref_slice %arg10[%dma_start3A_172] : memref<800512xf32, #tpu.memory_space<vmem_shared>> -> memref<800512xf32, #tpu.memory_space<vmem_shared>>
        tpu.enqueue_indirect_dma source(%arg25 : memref<4096xf32, #tpu.memory_space<vmem>>) target(%dma_start3A_173 : memref<800512xf32, #tpu.memory_space<vmem_shared>>) offsets(%arg23 : memref<4096xi32, #tpu.memory_space<vmem>>) semaphore(%run_scoped3A : memref<!tpu.dma_semaphore, #tpu.memory_space<semaphore_mem>>) {add = true}
        %dma_wait3A_174 = arith.constant 0 : i32
        %dma_wait3A_175 = tpu.memref_slice %arg10[%dma_wait3A_174] : memref<800512xf32, #tpu.memory_space<vmem_shared>> -> memref<800512xf32, #tpu.memory_space<vmem_shared>>
        tpu.wait_indirect_dma semaphore(%run_scoped3A : memref<!tpu.dma_semaphore, #tpu.memory_space<semaphore_mem>>) src(%arg25 : memref<4096xf32, #tpu.memory_space<vmem>>) dst(%dma_wait3A_175 : memref<800512xf32, #tpu.memory_space<vmem_shared>>)
        tpu.yield
      }) : () -> ()
      %scan3A_118 = arith.constant 0 : i32
      %scan3A_119 = arith.constant 256 : i32
      %scan3A_120 = arith.addi %scan3A_118, %scan3A_119 : i32
      %scan3A_121 = arith.constant 1 : i32
      scf.for %scan3A_172 = %scan3A_118 to %scan3A_120 step %scan3A_121  : i32 {
        %mul3A_173 = arith.constant 16 : i32
        %mul3A_174 = arith.muli %scan3A_172, %mul3A_173 : i32
        %add3A_175 = vector.broadcast %mul3A_174 : i32 to vector<16xi32>
        %add3A_176 = arith.addi %add3A_175, %iota3A : vector<16xi32>
        %and3A_177 = arith.constant 511 : i32
        %and3A_178 = vector.broadcast %and3A_177 : i32 to vector<16xi32>
        %and3A_179 = arith.andi %add3A_176, %and3A_178 : vector<16xi32>
        %add3A_180 = arith.constant 800000 : i32
        %add3A_181 = vector.broadcast %add3A_180 : i32 to vector<16xi32>
        %add3A_182 = arith.addi %add3A_181, %and3A_179 : vector<16xi32>
        %mul3A_183 = arith.constant 16 : i32
        %mul3A_184 = arith.muli %scan3A_172, %mul3A_183 : i32
        %swap3A = arith.index_cast %mul3A_184 : i32 to index
        %swap3A_185 = tpu.vector_load %arg23[%swap3A] {strides = array<i32>} : memref<4096xi32, #tpu.memory_space<vmem>>, vector<16xi32>,
        tpu.vector_store %arg23[%swap3A], %add3A_182 {strides = array<i32>} : memref<4096xi32, #tpu.memory_space<vmem>>, vector<16xi32>,
      }
      %scan3A_122 = arith.constant 256 : i32
      %barrier3A_123 = arith.constant 0 : index
      tpu.barrier barrier_id(%barrier3A_123)
      %add3A_124 = arith.constant 0 : i32
      %add3A_125 = arith.addi %arg1, %add3A_124 : i32
      %mul3A_126 = arith.constant 2000 : i32
      %mul3A_127 = arith.muli %add3A_125, %mul3A_126 : i32
      %multiple_of3A_128 = tpu.assume_multiple %mul3A_127, 8 : i32
      %add3A_129 = arith.addi %mul3A_14, %multiple_of3A_128 : i32
      %multiple_of3A_130 = tpu.assume_multiple %add3A_129, 8 : i32
      %dma_start3A_131 = tpu.memref_slice %arg5[%multiple_of3A_130] : memref<8000000xf32, #tpu.memory_space<hbm>> -> memref<2000xf32, #tpu.memory_space<hbm>>
      %dma_start3A_132 = tpu.memref_slice %arg5[%multiple_of3A_130] : memref<8000000xf32, #tpu.memory_space<hbm>> -> memref<2000xf32, #tpu.memory_space<hbm>>
      tpu.enqueue_dma source(%dma_start3A_132 : memref<2000xf32, #tpu.memory_space<hbm>>) target(%arg11 : memref<2000xf32, #tpu.memory_space<vmem>>) target_semaphore(%arg26 : memref<!tpu.dma_semaphore, #tpu.memory_space<semaphore_mem>>)
      %dma_start3A_133 = tpu.memref_slice %arg6[%multiple_of3A_130] : memref<8000000xf32, #tpu.memory_space<hbm>> -> memref<2000xf32, #tpu.memory_space<hbm>>
      %dma_start3A_134 = tpu.memref_slice %arg6[%multiple_of3A_130] : memref<8000000xf32, #tpu.memory_space<hbm>> -> memref<2000xf32, #tpu.memory_space<hbm>>
      tpu.enqueue_dma source(%dma_start3A_134 : memref<2000xf32, #tpu.memory_space<hbm>>) target(%arg13 : memref<2000xf32, #tpu.memory_space<vmem>>) target_semaphore(%arg26 : memref<!tpu.dma_semaphore, #tpu.memory_space<semaphore_mem>>)
      %add3A_135 = arith.constant 16 : i32
      %add3A_136 = arith.addi %arg1, %add3A_135 : i32
      %mul3A_137 = arith.constant 2000 : i32
      %mul3A_138 = arith.muli %add3A_136, %mul3A_137 : i32
      %multiple_of3A_139 = tpu.assume_multiple %mul3A_138, 8 : i32
      %add3A_140 = arith.addi %mul3A_14, %multiple_of3A_139 : i32
      %multiple_of3A_141 = tpu.assume_multiple %add3A_140, 8 : i32
      %dma_start3A_142 = tpu.memref_slice %arg5[%multiple_of3A_141] : memref<8000000xf32, #tpu.memory_space<hbm>> -> memref<2000xf32, #tpu.memory_space<hbm>>
      %dma_start3A_143 = tpu.memref_slice %arg5[%multiple_of3A_141] : memref<8000000xf32, #tpu.memory_space<hbm>> -> memref<2000xf32, #tpu.memory_space<hbm>>
      tpu.enqueue_dma source(%dma_start3A_143 : memref<2000xf32, #tpu.memory_space<hbm>>) target(%arg12 : memref<2000xf32, #tpu.memory_space<vmem>>) target_semaphore(%arg27 : memref<!tpu.dma_semaphore, #tpu.memory_space<semaphore_mem>>)
      %dma_start3A_144 = tpu.memref_slice %arg6[%multiple_of3A_141] : memref<8000000xf32, #tpu.memory_space<hbm>> -> memref<2000xf32, #tpu.memory_space<hbm>>
      %dma_start3A_145 = tpu.memref_slice %arg6[%multiple_of3A_141] : memref<8000000xf32, #tpu.memory_space<hbm>> -> memref<2000xf32, #tpu.memory_space<hbm>>
      tpu.enqueue_dma source(%dma_start3A_145 : memref<2000xf32, #tpu.memory_space<hbm>>) target(%arg14 : memref<2000xf32, #tpu.memory_space<vmem>>) target_semaphore(%arg27 : memref<!tpu.dma_semaphore, #tpu.memory_space<semaphore_mem>>)
      %scan3A_146 = arith.constant 0 : i32
      %scan3A_147 = arith.constant 12 : i32
      %scan3A_148 = arith.addi %scan3A_146, %scan3A_147 : i32
      %scan3A_149 = arith.constant 1 : i32
      scf.for %scan3A_172 = %scan3A_146 to %scan3A_148 step %scan3A_149  : i32 {
        %mul3A_173 = arith.constant 2 : i32
        %mul3A_174 = arith.muli %scan3A_172, %mul3A_173 : i32
        %add3A_175 = arith.constant 0 : i32
        %add3A_176 = arith.addi %mul3A_174, %add3A_175 : i32
        %mul3A_177 = arith.constant 16 : i32
        %mul3A_178 = arith.muli %add3A_176, %mul3A_177 : i32
        %add3A_179 = arith.addi %arg1, %mul3A_178 : i32
        %mul3A_180 = arith.constant 2000 : i32
        %mul3A_181 = arith.muli %add3A_179, %mul3A_180 : i32
        %multiple_of3A_182 = tpu.assume_multiple %mul3A_181, 8 : i32
        %add3A_183 = arith.addi %mul3A_14, %multiple_of3A_182 : i32
        %multiple_of3A_184 = tpu.assume_multiple %add3A_183, 8 : i32
        %dma_wait3A_185 = arith.constant 0 : i32
        %dma_wait3A_186 = tpu.memref_slice %arg5[%dma_wait3A_185] : memref<8000000xf32, #tpu.memory_space<hbm>> -> memref<2000xf32, #tpu.memory_space<hbm>>
        %dma_wait3A_187 = arith.constant 0 : i32
        %dma_wait3A_188 = tpu.memref_slice %arg5[%dma_wait3A_187] : memref<8000000xf32, #tpu.memory_space<hbm>> -> memref<2000xf32, #tpu.memory_space<hbm>>
        tpu.wait_dma2 semaphore(%arg26 : memref<!tpu.dma_semaphore, #tpu.memory_space<semaphore_mem>>) src(%dma_wait3A_188 : memref<2000xf32, #tpu.memory_space<hbm>>) dst(%arg11 : memref<2000xf32, #tpu.memory_space<vmem>>)
        %dma_wait3A_189 = arith.constant 0 : i32
        %dma_wait3A_190 = tpu.memref_slice %arg6[%dma_wait3A_189] : memref<8000000xf32, #tpu.memory_space<hbm>> -> memref<2000xf32, #tpu.memory_space<hbm>>
        %dma_wait3A_191 = arith.constant 0 : i32
        %dma_wait3A_192 = tpu.memref_slice %arg6[%dma_wait3A_191] : memref<8000000xf32, #tpu.memory_space<hbm>> -> memref<2000xf32, #tpu.memory_space<hbm>>
        tpu.wait_dma2 semaphore(%arg26 : memref<!tpu.dma_semaphore, #tpu.memory_space<semaphore_mem>>) src(%dma_wait3A_192 : memref<2000xf32, #tpu.memory_space<hbm>>) dst(%arg13 : memref<2000xf32, #tpu.memory_space<vmem>>)
        "tpu.region"() ({
          %run_scoped3A = tpu.sem_alloc : memref<!tpu.dma_semaphore, #tpu.memory_space<semaphore_mem>>
          %dma_start3A_234 = tpu.memref_slice %arg9[%multiple_of3A_182] : memref<800512xf32, #tpu.memory_space<vmem_shared>> -> memref<2000xf32, #tpu.memory_space<vmem_shared>>
          %dma_start3A_235 = tpu.memref_slice %arg9[%multiple_of3A_182] : memref<800512xf32, #tpu.memory_space<vmem_shared>> -> memref<2000xf32, #tpu.memory_space<vmem_shared>>
          tpu.enqueue_dma source(%dma_start3A_235 : memref<2000xf32, #tpu.memory_space<vmem_shared>>) target(%arg15 : memref<2000xf32, #tpu.memory_space<vmem>>) target_semaphore(%run_scoped3A : memref<!tpu.dma_semaphore, #tpu.memory_space<semaphore_mem>>)
          %dma_wait3A_236 = tpu.memref_slice %arg9[%multiple_of3A_182] : memref<800512xf32, #tpu.memory_space<vmem_shared>> -> memref<2000xf32, #tpu.memory_space<vmem_shared>>
          %dma_wait3A_237 = tpu.memref_slice %arg9[%multiple_of3A_182] : memref<800512xf32, #tpu.memory_space<vmem_shared>> -> memref<2000xf32, #tpu.memory_space<vmem_shared>>
          tpu.wait_dma2 semaphore(%run_scoped3A : memref<!tpu.dma_semaphore, #tpu.memory_space<semaphore_mem>>) src(%dma_wait3A_237 : memref<2000xf32, #tpu.memory_space<vmem_shared>>) dst(%arg15 : memref<2000xf32, #tpu.memory_space<vmem>>)
          tpu.yield
        }) : () -> ()
        "tpu.region"() ({
          %run_scoped3A = tpu.sem_alloc : memref<!tpu.dma_semaphore, #tpu.memory_space<semaphore_mem>>
          %dma_start3A_234 = tpu.memref_slice %arg10[%multiple_of3A_182] : memref<800512xf32, #tpu.memory_space<vmem_shared>> -> memref<2000xf32, #tpu.memory_space<vmem_shared>>
          %dma_start3A_235 = tpu.memref_slice %arg10[%multiple_of3A_182] : memref<800512xf32, #tpu.memory_space<vmem_shared>> -> memref<2000xf32, #tpu.memory_space<vmem_shared>>
          tpu.enqueue_dma source(%dma_start3A_235 : memref<2000xf32, #tpu.memory_space<vmem_shared>>) target(%arg16 : memref<2000xf32, #tpu.memory_space<vmem>>) target_semaphore(%run_scoped3A : memref<!tpu.dma_semaphore, #tpu.memory_space<semaphore_mem>>)
          %dma_wait3A_236 = tpu.memref_slice %arg10[%multiple_of3A_182] : memref<800512xf32, #tpu.memory_space<vmem_shared>> -> memref<2000xf32, #tpu.memory_space<vmem_shared>>
          %dma_wait3A_237 = tpu.memref_slice %arg10[%multiple_of3A_182] : memref<800512xf32, #tpu.memory_space<vmem_shared>> -> memref<2000xf32, #tpu.memory_space<vmem_shared>>
          tpu.wait_dma2 semaphore(%run_scoped3A : memref<!tpu.dma_semaphore, #tpu.memory_space<semaphore_mem>>) src(%dma_wait3A_237 : memref<2000xf32, #tpu.memory_space<vmem_shared>>) dst(%arg16 : memref<2000xf32, #tpu.memory_space<vmem>>)
          tpu.yield
        }) : () -> ()
        %scan3A_193 = arith.constant 0 : i32
        %scan3A_194 = arith.constant 125 : i32
        %scan3A_195 = arith.addi %scan3A_193, %scan3A_194 : i32
        %scan3A_196 = arith.constant 1 : i32
        scf.for %scan3A_234 = %scan3A_193 to %scan3A_195 step %scan3A_196  : i32 {
          %mul3A_235 = arith.constant 16 : i32
          %mul3A_236 = arith.muli %scan3A_234, %mul3A_235 : i32
          %get3A = arith.index_cast %mul3A_236 : i32 to index
          %get3A_237 = tpu.vector_load %arg11[%get3A] {strides = array<i32>} : memref<2000xf32, #tpu.memory_space<vmem>>, vector<16xf32>,
          %mul3A_238 = arith.constant 16 : i32
          %mul3A_239 = arith.muli %scan3A_234, %mul3A_238 : i32
          %get3A_240 = arith.index_cast %mul3A_239 : i32 to index
          %get3A_241 = tpu.vector_load %arg13[%get3A_240] {strides = array<i32>} : memref<2000xf32, #tpu.memory_space<vmem>>, vector<16xf32>,
          %mul3A_242 = arith.constant 16 : i32
          %mul3A_243 = arith.muli %scan3A_234, %mul3A_242 : i32
          %get3A_244 = arith.index_cast %mul3A_243 : i32 to index
          %get3A_245 = tpu.vector_load %arg15[%get3A_244] {strides = array<i32>} : memref<2000xf32, #tpu.memory_space<vmem>>, vector<16xf32>,
          %mul3A_246 = arith.constant 16 : i32
          %mul3A_247 = arith.muli %scan3A_234, %mul3A_246 : i32
          %get3A_248 = arith.index_cast %mul3A_247 : i32 to index
          %get3A_249 = tpu.vector_load %arg16[%get3A_248] {strides = array<i32>} : memref<2000xf32, #tpu.memory_space<vmem>>, vector<16xf32>,
          %ne3A_250 = arith.cmpf one, %get3A_245, %get3A_237 : vector<16xf32>
          %bitcast3A = vector.bitcast %get3A_245 : vector<16xf32> to vector<16xi32>
          %shift_right_arithmetic3A = arith.constant 13 : i32
          %shift_right_arithmetic3A_251 = vector.broadcast %shift_right_arithmetic3A : i32 to vector<16xi32>
          %shift_right_arithmetic3A_252 = arith.shrsi %bitcast3A, %shift_right_arithmetic3A_251 : vector<16xi32>
          %and3A_253 = arith.constant 1 : i32
          %and3A_254 = vector.broadcast %and3A_253 : i32 to vector<16xi32>
          %and3A_255 = arith.andi %shift_right_arithmetic3A_252, %and3A_254 : vector<16xi32>
          %add3A_256 = arith.constant 4095 : i32
          %add3A_257 = vector.broadcast %add3A_256 : i32 to vector<16xi32>
          %add3A_258 = arith.addi %add3A_257, %and3A_255 : vector<16xi32>
          %add3A_259 = arith.addi %bitcast3A, %add3A_258 : vector<16xi32>
          %and3A_260 = arith.constant -8192 : i32
          %and3A_261 = vector.broadcast %and3A_260 : i32 to vector<16xi32>
          %and3A_262 = arith.andi %add3A_259, %and3A_261 : vector<16xi32>
          %bitcast3A_263 = vector.bitcast %and3A_262 : vector<16xi32> to vector<16xf32>
          %gt3A = arith.constant 0.000000e+00 : f32
          %gt3A_264 = vector.broadcast %gt3A : f32 to vector<16xf32>
          %gt3A_265 = arith.cmpf ogt, %get3A_245, %gt3A_264 : vector<16xf32>
          %jit3A_266 = arith.constant 0x7F800000 : f32
          %jit3A_267 = arith.constant 0xFF800000 : f32
          %broadcast_in_dim3A = vector.broadcast %jit3A_266 : f32 to vector<16xf32>
          %broadcast_in_dim3A_268 = vector.broadcast %jit3A_267 : f32 to vector<16xf32>
          %select_n3A_269 = arith.select %gt3A_265, %broadcast_in_dim3A, %broadcast_in_dim3A_268 : vector<16xi1>, vector<16xf32>
          %abs3A = math.absf %get3A_245 : vector<16xf32>
          %ge3A = arith.constant 6.552000e+04 : f32
          %ge3A_270 = vector.broadcast %ge3A : f32 to vector<16xf32>
          %ge3A_271 = arith.cmpf oge, %abs3A, %ge3A_270 : vector<16xf32>
          %select_n3A_272 = arith.select %ge3A_271, %select_n3A_269, %bitcast3A_263 : vector<16xi1>, vector<16xf32>
          %select_n3A_273 = arith.select %ne3A_250, %select_n3A_272, %get3A_237 : vector<16xi1>, vector<16xf32>
          %mul3A_274 = arith.constant 16 : i32
          %mul3A_275 = arith.muli %scan3A_234, %mul3A_274 : i32
          %swap3A = arith.index_cast %mul3A_275 : i32 to index
          %swap3A_276 = tpu.vector_load %arg11[%swap3A] {strides = array<i32>} : memref<2000xf32, #tpu.memory_space<vmem>>, vector<16xf32>,
          tpu.vector_store %arg11[%swap3A], %select_n3A_273 {strides = array<i32>} : memref<2000xf32, #tpu.memory_space<vmem>>, vector<16xf32>,
          %mul3A_277 = arith.mulf %get3A_237, %get3A_241 : vector<16xf32>
          %add3A_278 = arith.addf %mul3A_277, %get3A_249 : vector<16xf32>
          %div3A_279 = arith.divf %add3A_278, %get3A_245 : vector<16xf32>
          %bitcast3A_280 = vector.bitcast %div3A_279 : vector<16xf32> to vector<16xi32>
          %shift_right_arithmetic3A_281 = arith.constant 13 : i32
          %shift_right_arithmetic3A_282 = vector.broadcast %shift_right_arithmetic3A_281 : i32 to vector<16xi32>
          %shift_right_arithmetic3A_283 = arith.shrsi %bitcast3A_280, %shift_right_arithmetic3A_282 : vector<16xi32>
          %and3A_284 = arith.constant 1 : i32
          %and3A_285 = vector.broadcast %and3A_284 : i32 to vector<16xi32>
          %and3A_286 = arith.andi %shift_right_arithmetic3A_283, %and3A_285 : vector<16xi32>
          %add3A_287 = arith.constant 4095 : i32
          %add3A_288 = vector.broadcast %add3A_287 : i32 to vector<16xi32>
          %add3A_289 = arith.addi %add3A_288, %and3A_286 : vector<16xi32>
          %add3A_290 = arith.addi %bitcast3A_280, %add3A_289 : vector<16xi32>
          %and3A_291 = arith.constant -8192 : i32
          %and3A_292 = vector.broadcast %and3A_291 : i32 to vector<16xi32>
          %and3A_293 = arith.andi %add3A_290, %and3A_292 : vector<16xi32>
          %bitcast3A_294 = vector.bitcast %and3A_293 : vector<16xi32> to vector<16xf32>
          %gt3A_295 = arith.constant 0.000000e+00 : f32
          %gt3A_296 = vector.broadcast %gt3A_295 : f32 to vector<16xf32>
          %gt3A_297 = arith.cmpf ogt, %div3A_279, %gt3A_296 : vector<16xf32>
          %jit3A_298 = arith.constant 0x7F800000 : f32
          %jit3A_299 = arith.constant 0xFF800000 : f32
          %broadcast_in_dim3A_300 = vector.broadcast %jit3A_298 : f32 to vector<16xf32>
          %broadcast_in_dim3A_301 = vector.broadcast %jit3A_299 : f32 to vector<16xf32>
          %select_n3A_302 = arith.select %gt3A_297, %broadcast_in_dim3A_300, %broadcast_in_dim3A_301 : vector<16xi1>, vector<16xf32>
          %abs3A_303 = math.absf %div3A_279 : vector<16xf32>
          %ge3A_304 = arith.constant 6.552000e+04 : f32
          %ge3A_305 = vector.broadcast %ge3A_304 : f32 to vector<16xf32>
          %ge3A_306 = arith.cmpf oge, %abs3A_303, %ge3A_305 : vector<16xf32>
          %select_n3A_307 = arith.select %ge3A_306, %select_n3A_302, %bitcast3A_294 : vector<16xi1>, vector<16xf32>
          %select_n3A_308 = arith.select %ne3A_250, %select_n3A_307, %get3A_241 : vector<16xi1>, vector<16xf32>
          %mul3A_309 = arith.constant 16 : i32
          %mul3A_310 = arith.muli %scan3A_234, %mul3A_309 : i32
          %swap3A_311 = arith.index_cast %mul3A_310 : i32 to index
          %swap3A_312 = tpu.vector_load %arg13[%swap3A_311] {strides = array<i32>} : memref<2000xf32, #tpu.memory_space<vmem>>, vector<16xf32>,
          tpu.vector_store %arg13[%swap3A_311], %select_n3A_308 {strides = array<i32>} : memref<2000xf32, #tpu.memory_space<vmem>>, vector<16xf32>,
        }
        %scan3A_197 = arith.constant 125 : i32
        "tpu.region"() ({
          %run_scoped3A = tpu.sem_alloc : memref<!tpu.dma_semaphore, #tpu.memory_space<semaphore_mem>>
          %dma_start3A_234 = tpu.memref_slice %arg7[%multiple_of3A_184] : memref<8000000xf32, #tpu.memory_space<hbm>> -> memref<2000xf32, #tpu.memory_space<hbm>>
          %dma_start3A_235 = tpu.memref_slice %arg7[%multiple_of3A_184] : memref<8000000xf32, #tpu.memory_space<hbm>> -> memref<2000xf32, #tpu.memory_space<hbm>>
          tpu.enqueue_dma source(%arg11 : memref<2000xf32, #tpu.memory_space<vmem>>) target(%dma_start3A_235 : memref<2000xf32, #tpu.memory_space<hbm>>) target_semaphore(%run_scoped3A : memref<!tpu.dma_semaphore, #tpu.memory_space<semaphore_mem>>)
          %dma_wait3A_236 = tpu.memref_slice %arg7[%multiple_of3A_184] : memref<8000000xf32, #tpu.memory_space<hbm>> -> memref<2000xf32, #tpu.memory_space<hbm>>
          %dma_wait3A_237 = tpu.memref_slice %arg7[%multiple_of3A_184] : memref<8000000xf32, #tpu.memory_space<hbm>> -> memref<2000xf32, #tpu.memory_space<hbm>>
          tpu.wait_dma2 semaphore(%run_scoped3A : memref<!tpu.dma_semaphore, #tpu.memory_space<semaphore_mem>>) src(%arg11 : memref<2000xf32, #tpu.memory_space<vmem>>) dst(%dma_wait3A_237 : memref<2000xf32, #tpu.memory_space<hbm>>)
          tpu.yield
        }) : () -> ()
        "tpu.region"() ({
          %run_scoped3A = tpu.sem_alloc : memref<!tpu.dma_semaphore, #tpu.memory_space<semaphore_mem>>
          %dma_start3A_234 = tpu.memref_slice %arg8[%multiple_of3A_184] : memref<8000000xf32, #tpu.memory_space<hbm>> -> memref<2000xf32, #tpu.memory_space<hbm>>
          %dma_start3A_235 = tpu.memref_slice %arg8[%multiple_of3A_184] : memref<8000000xf32, #tpu.memory_space<hbm>> -> memref<2000xf32, #tpu.memory_space<hbm>>
          tpu.enqueue_dma source(%arg13 : memref<2000xf32, #tpu.memory_space<vmem>>) target(%dma_start3A_235 : memref<2000xf32, #tpu.memory_space<hbm>>) target_semaphore(%run_scoped3A : memref<!tpu.dma_semaphore, #tpu.memory_space<semaphore_mem>>)
          %dma_wait3A_236 = tpu.memref_slice %arg8[%multiple_of3A_184] : memref<8000000xf32, #tpu.memory_space<hbm>> -> memref<2000xf32, #tpu.memory_space<hbm>>
          %dma_wait3A_237 = tpu.memref_slice %arg8[%multiple_of3A_184] : memref<8000000xf32, #tpu.memory_space<hbm>> -> memref<2000xf32, #tpu.memory_space<hbm>>
          tpu.wait_dma2 semaphore(%run_scoped3A : memref<!tpu.dma_semaphore, #tpu.memory_space<semaphore_mem>>) src(%arg13 : memref<2000xf32, #tpu.memory_space<vmem>>) dst(%dma_wait3A_237 : memref<2000xf32, #tpu.memory_space<hbm>>)
          tpu.yield
        }) : () -> ()
        %add3A_198 = arith.constant 2 : i32
        %add3A_199 = arith.addi %add3A_176, %add3A_198 : i32
        %lt3A = arith.constant 25 : i32
        %lt3A_200 = arith.cmpi slt, %add3A_199, %lt3A : i32
        %convert_element_type3A = arith.extui %lt3A_200 : i1 to i32
        %cond3A = arith.constant 0 : i32
        %cond3A_201 = arith.cmpi ne, %convert_element_type3A, %cond3A : i32
        scf.if %cond3A_201 {
          %add3A_234 = arith.constant 2 : i32
          %add3A_235 = arith.addi %add3A_176, %add3A_234 : i32
          %mul3A_236 = arith.constant 16 : i32
          %mul3A_237 = arith.muli %add3A_235, %mul3A_236 : i32
          %add3A_238 = arith.addi %arg1, %mul3A_237 : i32
          %mul3A_239 = arith.constant 2000 : i32
          %mul3A_240 = arith.muli %add3A_238, %mul3A_239 : i32
          %multiple_of3A_241 = tpu.assume_multiple %mul3A_240, 8 : i32
          %add3A_242 = arith.addi %mul3A_14, %multiple_of3A_241 : i32
          %multiple_of3A_243 = tpu.assume_multiple %add3A_242, 8 : i32
          %dma_start3A_244 = tpu.memref_slice %arg5[%multiple_of3A_243] : memref<8000000xf32, #tpu.memory_space<hbm>> -> memref<2000xf32, #tpu.memory_space<hbm>>
          %dma_start3A_245 = tpu.memref_slice %arg5[%multiple_of3A_243] : memref<8000000xf32, #tpu.memory_space<hbm>> -> memref<2000xf32, #tpu.memory_space<hbm>>
          tpu.enqueue_dma source(%dma_start3A_245 : memref<2000xf32, #tpu.memory_space<hbm>>) target(%arg11 : memref<2000xf32, #tpu.memory_space<vmem>>) target_semaphore(%arg26 : memref<!tpu.dma_semaphore, #tpu.memory_space<semaphore_mem>>)
          %dma_start3A_246 = tpu.memref_slice %arg6[%multiple_of3A_243] : memref<8000000xf32, #tpu.memory_space<hbm>> -> memref<2000xf32, #tpu.memory_space<hbm>>
          %dma_start3A_247 = tpu.memref_slice %arg6[%multiple_of3A_243] : memref<8000000xf32, #tpu.memory_space<hbm>> -> memref<2000xf32, #tpu.memory_space<hbm>>
          tpu.enqueue_dma source(%dma_start3A_247 : memref<2000xf32, #tpu.memory_space<hbm>>) target(%arg13 : memref<2000xf32, #tpu.memory_space<vmem>>) target_semaphore(%arg26 : memref<!tpu.dma_semaphore, #tpu.memory_space<semaphore_mem>>)
        } else {
        }
        %mul3A_202 = arith.constant 2 : i32
        %mul3A_203 = arith.muli %scan3A_172, %mul3A_202 : i32
        %add3A_204 = arith.constant 1 : i32
        %add3A_205 = arith.addi %mul3A_203, %add3A_204 : i32
        %mul3A_206 = arith.constant 16 : i32
        %mul3A_207 = arith.muli %add3A_205, %mul3A_206 : i32
        %add3A_208 = arith.addi %arg1, %mul3A_207 : i32
        %mul3A_209 = arith.constant 2000 : i32
        %mul3A_210 = arith.muli %add3A_208, %mul3A_209 : i32
        %multiple_of3A_211 = tpu.assume_multiple %mul3A_210, 8 : i32
        %add3A_212 = arith.addi %mul3A_14, %multiple_of3A_211 : i32
        %multiple_of3A_213 = tpu.assume_multiple %add3A_212, 8 : i32
        %dma_wait3A_214 = arith.constant 0 : i32
        %dma_wait3A_215 = tpu.memref_slice %arg5[%dma_wait3A_214] : memref<8000000xf32, #tpu.memory_space<hbm>> -> memref<2000xf32, #tpu.memory_space<hbm>>
        %dma_wait3A_216 = arith.constant 0 : i32
        %dma_wait3A_217 = tpu.memref_slice %arg5[%dma_wait3A_216] : memref<8000000xf32, #tpu.memory_space<hbm>> -> memref<2000xf32, #tpu.memory_space<hbm>>
        tpu.wait_dma2 semaphore(%arg27 : memref<!tpu.dma_semaphore, #tpu.memory_space<semaphore_mem>>) src(%dma_wait3A_217 : memref<2000xf32, #tpu.memory_space<hbm>>) dst(%arg12 : memref<2000xf32, #tpu.memory_space<vmem>>)
        %dma_wait3A_218 = arith.constant 0 : i32
        %dma_wait3A_219 = tpu.memref_slice %arg6[%dma_wait3A_218] : memref<8000000xf32, #tpu.memory_space<hbm>> -> memref<2000xf32, #tpu.memory_space<hbm>>
        %dma_wait3A_220 = arith.constant 0 : i32
        %dma_wait3A_221 = tpu.memref_slice %arg6[%dma_wait3A_220] : memref<8000000xf32, #tpu.memory_space<hbm>> -> memref<2000xf32, #tpu.memory_space<hbm>>
        tpu.wait_dma2 semaphore(%arg27 : memref<!tpu.dma_semaphore, #tpu.memory_space<semaphore_mem>>) src(%dma_wait3A_221 : memref<2000xf32, #tpu.memory_space<hbm>>) dst(%arg14 : memref<2000xf32, #tpu.memory_space<vmem>>)
        "tpu.region"() ({
          %run_scoped3A = tpu.sem_alloc : memref<!tpu.dma_semaphore, #tpu.memory_space<semaphore_mem>>
          %dma_start3A_234 = tpu.memref_slice %arg9[%multiple_of3A_211] : memref<800512xf32, #tpu.memory_space<vmem_shared>> -> memref<2000xf32, #tpu.memory_space<vmem_shared>>
          %dma_start3A_235 = tpu.memref_slice %arg9[%multiple_of3A_211] : memref<800512xf32, #tpu.memory_space<vmem_shared>> -> memref<2000xf32, #tpu.memory_space<vmem_shared>>
          tpu.enqueue_dma source(%dma_start3A_235 : memref<2000xf32, #tpu.memory_space<vmem_shared>>) target(%arg15 : memref<2000xf32, #tpu.memory_space<vmem>>) target_semaphore(%run_scoped3A : memref<!tpu.dma_semaphore, #tpu.memory_space<semaphore_mem>>)
          %dma_wait3A_236 = tpu.memref_slice %arg9[%multiple_of3A_211] : memref<800512xf32, #tpu.memory_space<vmem_shared>> -> memref<2000xf32, #tpu.memory_space<vmem_shared>>
          %dma_wait3A_237 = tpu.memref_slice %arg9[%multiple_of3A_211] : memref<800512xf32, #tpu.memory_space<vmem_shared>> -> memref<2000xf32, #tpu.memory_space<vmem_shared>>
          tpu.wait_dma2 semaphore(%run_scoped3A : memref<!tpu.dma_semaphore, #tpu.memory_space<semaphore_mem>>) src(%dma_wait3A_237 : memref<2000xf32, #tpu.memory_space<vmem_shared>>) dst(%arg15 : memref<2000xf32, #tpu.memory_space<vmem>>)
          tpu.yield
        }) : () -> ()
        "tpu.region"() ({
          %run_scoped3A = tpu.sem_alloc : memref<!tpu.dma_semaphore, #tpu.memory_space<semaphore_mem>>
          %dma_start3A_234 = tpu.memref_slice %arg10[%multiple_of3A_211] : memref<800512xf32, #tpu.memory_space<vmem_shared>> -> memref<2000xf32, #tpu.memory_space<vmem_shared>>
          %dma_start3A_235 = tpu.memref_slice %arg10[%multiple_of3A_211] : memref<800512xf32, #tpu.memory_space<vmem_shared>> -> memref<2000xf32, #tpu.memory_space<vmem_shared>>
          tpu.enqueue_dma source(%dma_start3A_235 : memref<2000xf32, #tpu.memory_space<vmem_shared>>) target(%arg16 : memref<2000xf32, #tpu.memory_space<vmem>>) target_semaphore(%run_scoped3A : memref<!tpu.dma_semaphore, #tpu.memory_space<semaphore_mem>>)
          %dma_wait3A_236 = tpu.memref_slice %arg10[%multiple_of3A_211] : memref<800512xf32, #tpu.memory_space<vmem_shared>> -> memref<2000xf32, #tpu.memory_space<vmem_shared>>
          %dma_wait3A_237 = tpu.memref_slice %arg10[%multiple_of3A_211] : memref<800512xf32, #tpu.memory_space<vmem_shared>> -> memref<2000xf32, #tpu.memory_space<vmem_shared>>
          tpu.wait_dma2 semaphore(%run_scoped3A : memref<!tpu.dma_semaphore, #tpu.memory_space<semaphore_mem>>) src(%dma_wait3A_237 : memref<2000xf32, #tpu.memory_space<vmem_shared>>) dst(%arg16 : memref<2000xf32, #tpu.memory_space<vmem>>)
          tpu.yield
        }) : () -> ()
        %scan3A_222 = arith.constant 0 : i32
        %scan3A_223 = arith.constant 125 : i32
        %scan3A_224 = arith.addi %scan3A_222, %scan3A_223 : i32
        %scan3A_225 = arith.constant 1 : i32
        scf.for %scan3A_234 = %scan3A_222 to %scan3A_224 step %scan3A_225  : i32 {
          %mul3A_235 = arith.constant 16 : i32
          %mul3A_236 = arith.muli %scan3A_234, %mul3A_235 : i32
          %get3A = arith.index_cast %mul3A_236 : i32 to index
          %get3A_237 = tpu.vector_load %arg12[%get3A] {strides = array<i32>} : memref<2000xf32, #tpu.memory_space<vmem>>, vector<16xf32>,
          %mul3A_238 = arith.constant 16 : i32
          %mul3A_239 = arith.muli %scan3A_234, %mul3A_238 : i32
          %get3A_240 = arith.index_cast %mul3A_239 : i32 to index
          %get3A_241 = tpu.vector_load %arg14[%get3A_240] {strides = array<i32>} : memref<2000xf32, #tpu.memory_space<vmem>>, vector<16xf32>,
          %mul3A_242 = arith.constant 16 : i32
          %mul3A_243 = arith.muli %scan3A_234, %mul3A_242 : i32
          %get3A_244 = arith.index_cast %mul3A_243 : i32 to index
          %get3A_245 = tpu.vector_load %arg15[%get3A_244] {strides = array<i32>} : memref<2000xf32, #tpu.memory_space<vmem>>, vector<16xf32>,
          %mul3A_246 = arith.constant 16 : i32
          %mul3A_247 = arith.muli %scan3A_234, %mul3A_246 : i32
          %get3A_248 = arith.index_cast %mul3A_247 : i32 to index
          %get3A_249 = tpu.vector_load %arg16[%get3A_248] {strides = array<i32>} : memref<2000xf32, #tpu.memory_space<vmem>>, vector<16xf32>,
          %ne3A_250 = arith.cmpf one, %get3A_245, %get3A_237 : vector<16xf32>
          %bitcast3A = vector.bitcast %get3A_245 : vector<16xf32> to vector<16xi32>
          %shift_right_arithmetic3A = arith.constant 13 : i32
          %shift_right_arithmetic3A_251 = vector.broadcast %shift_right_arithmetic3A : i32 to vector<16xi32>
          %shift_right_arithmetic3A_252 = arith.shrsi %bitcast3A, %shift_right_arithmetic3A_251 : vector<16xi32>
          %and3A_253 = arith.constant 1 : i32
          %and3A_254 = vector.broadcast %and3A_253 : i32 to vector<16xi32>
          %and3A_255 = arith.andi %shift_right_arithmetic3A_252, %and3A_254 : vector<16xi32>
          %add3A_256 = arith.constant 4095 : i32
          %add3A_257 = vector.broadcast %add3A_256 : i32 to vector<16xi32>
          %add3A_258 = arith.addi %add3A_257, %and3A_255 : vector<16xi32>
          %add3A_259 = arith.addi %bitcast3A, %add3A_258 : vector<16xi32>
          %and3A_260 = arith.constant -8192 : i32
          %and3A_261 = vector.broadcast %and3A_260 : i32 to vector<16xi32>
          %and3A_262 = arith.andi %add3A_259, %and3A_261 : vector<16xi32>
          %bitcast3A_263 = vector.bitcast %and3A_262 : vector<16xi32> to vector<16xf32>
          %gt3A = arith.constant 0.000000e+00 : f32
          %gt3A_264 = vector.broadcast %gt3A : f32 to vector<16xf32>
          %gt3A_265 = arith.cmpf ogt, %get3A_245, %gt3A_264 : vector<16xf32>
          %jit3A_266 = arith.constant 0x7F800000 : f32
          %jit3A_267 = arith.constant 0xFF800000 : f32
          %broadcast_in_dim3A = vector.broadcast %jit3A_266 : f32 to vector<16xf32>
          %broadcast_in_dim3A_268 = vector.broadcast %jit3A_267 : f32 to vector<16xf32>
          %select_n3A_269 = arith.select %gt3A_265, %broadcast_in_dim3A, %broadcast_in_dim3A_268 : vector<16xi1>, vector<16xf32>
          %abs3A = math.absf %get3A_245 : vector<16xf32>
          %ge3A = arith.constant 6.552000e+04 : f32
          %ge3A_270 = vector.broadcast %ge3A : f32 to vector<16xf32>
          %ge3A_271 = arith.cmpf oge, %abs3A, %ge3A_270 : vector<16xf32>
          %select_n3A_272 = arith.select %ge3A_271, %select_n3A_269, %bitcast3A_263 : vector<16xi1>, vector<16xf32>
          %select_n3A_273 = arith.select %ne3A_250, %select_n3A_272, %get3A_237 : vector<16xi1>, vector<16xf32>
          %mul3A_274 = arith.constant 16 : i32
          %mul3A_275 = arith.muli %scan3A_234, %mul3A_274 : i32
          %swap3A = arith.index_cast %mul3A_275 : i32 to index
          %swap3A_276 = tpu.vector_load %arg12[%swap3A] {strides = array<i32>} : memref<2000xf32, #tpu.memory_space<vmem>>, vector<16xf32>,
          tpu.vector_store %arg12[%swap3A], %select_n3A_273 {strides = array<i32>} : memref<2000xf32, #tpu.memory_space<vmem>>, vector<16xf32>,
          %mul3A_277 = arith.mulf %get3A_237, %get3A_241 : vector<16xf32>
          %add3A_278 = arith.addf %mul3A_277, %get3A_249 : vector<16xf32>
          %div3A_279 = arith.divf %add3A_278, %get3A_245 : vector<16xf32>
          %bitcast3A_280 = vector.bitcast %div3A_279 : vector<16xf32> to vector<16xi32>
          %shift_right_arithmetic3A_281 = arith.constant 13 : i32
          %shift_right_arithmetic3A_282 = vector.broadcast %shift_right_arithmetic3A_281 : i32 to vector<16xi32>
          %shift_right_arithmetic3A_283 = arith.shrsi %bitcast3A_280, %shift_right_arithmetic3A_282 : vector<16xi32>
          %and3A_284 = arith.constant 1 : i32
          %and3A_285 = vector.broadcast %and3A_284 : i32 to vector<16xi32>
          %and3A_286 = arith.andi %shift_right_arithmetic3A_283, %and3A_285 : vector<16xi32>
          %add3A_287 = arith.constant 4095 : i32
          %add3A_288 = vector.broadcast %add3A_287 : i32 to vector<16xi32>
          %add3A_289 = arith.addi %add3A_288, %and3A_286 : vector<16xi32>
          %add3A_290 = arith.addi %bitcast3A_280, %add3A_289 : vector<16xi32>
          %and3A_291 = arith.constant -8192 : i32
          %and3A_292 = vector.broadcast %and3A_291 : i32 to vector<16xi32>
          %and3A_293 = arith.andi %add3A_290, %and3A_292 : vector<16xi32>
          %bitcast3A_294 = vector.bitcast %and3A_293 : vector<16xi32> to vector<16xf32>
          %gt3A_295 = arith.constant 0.000000e+00 : f32
          %gt3A_296 = vector.broadcast %gt3A_295 : f32 to vector<16xf32>
          %gt3A_297 = arith.cmpf ogt, %div3A_279, %gt3A_296 : vector<16xf32>
          %jit3A_298 = arith.constant 0x7F800000 : f32
          %jit3A_299 = arith.constant 0xFF800000 : f32
          %broadcast_in_dim3A_300 = vector.broadcast %jit3A_298 : f32 to vector<16xf32>
          %broadcast_in_dim3A_301 = vector.broadcast %jit3A_299 : f32 to vector<16xf32>
          %select_n3A_302 = arith.select %gt3A_297, %broadcast_in_dim3A_300, %broadcast_in_dim3A_301 : vector<16xi1>, vector<16xf32>
          %abs3A_303 = math.absf %div3A_279 : vector<16xf32>
          %ge3A_304 = arith.constant 6.552000e+04 : f32
          %ge3A_305 = vector.broadcast %ge3A_304 : f32 to vector<16xf32>
          %ge3A_306 = arith.cmpf oge, %abs3A_303, %ge3A_305 : vector<16xf32>
          %select_n3A_307 = arith.select %ge3A_306, %select_n3A_302, %bitcast3A_294 : vector<16xi1>, vector<16xf32>
          %select_n3A_308 = arith.select %ne3A_250, %select_n3A_307, %get3A_241 : vector<16xi1>, vector<16xf32>
          %mul3A_309 = arith.constant 16 : i32
          %mul3A_310 = arith.muli %scan3A_234, %mul3A_309 : i32
          %swap3A_311 = arith.index_cast %mul3A_310 : i32 to index
          %swap3A_312 = tpu.vector_load %arg14[%swap3A_311] {strides = array<i32>} : memref<2000xf32, #tpu.memory_space<vmem>>, vector<16xf32>,
          tpu.vector_store %arg14[%swap3A_311], %select_n3A_308 {strides = array<i32>} : memref<2000xf32, #tpu.memory_space<vmem>>, vector<16xf32>,
        }
        %scan3A_226 = arith.constant 125 : i32
        "tpu.region"() ({
          %run_scoped3A = tpu.sem_alloc : memref<!tpu.dma_semaphore, #tpu.memory_space<semaphore_mem>>
          %dma_start3A_234 = tpu.memref_slice %arg7[%multiple_of3A_213] : memref<8000000xf32, #tpu.memory_space<hbm>> -> memref<2000xf32, #tpu.memory_space<hbm>>
          %dma_start3A_235 = tpu.memref_slice %arg7[%multiple_of3A_213] : memref<8000000xf32, #tpu.memory_space<hbm>> -> memref<2000xf32, #tpu.memory_space<hbm>>
          tpu.enqueue_dma source(%arg12 : memref<2000xf32, #tpu.memory_space<vmem>>) target(%dma_start3A_235 : memref<2000xf32, #tpu.memory_space<hbm>>) target_semaphore(%run_scoped3A : memref<!tpu.dma_semaphore, #tpu.memory_space<semaphore_mem>>)
          %dma_wait3A_236 = tpu.memref_slice %arg7[%multiple_of3A_213] : memref<8000000xf32, #tpu.memory_space<hbm>> -> memref<2000xf32, #tpu.memory_space<hbm>>
          %dma_wait3A_237 = tpu.memref_slice %arg7[%multiple_of3A_213] : memref<8000000xf32, #tpu.memory_space<hbm>> -> memref<2000xf32, #tpu.memory_space<hbm>>
          tpu.wait_dma2 semaphore(%run_scoped3A : memref<!tpu.dma_semaphore, #tpu.memory_space<semaphore_mem>>) src(%arg12 : memref<2000xf32, #tpu.memory_space<vmem>>) dst(%dma_wait3A_237 : memref<2000xf32, #tpu.memory_space<hbm>>)
          tpu.yield
        }) : () -> ()
        "tpu.region"() ({
          %run_scoped3A = tpu.sem_alloc : memref<!tpu.dma_semaphore, #tpu.memory_space<semaphore_mem>>
          %dma_start3A_234 = tpu.memref_slice %arg8[%multiple_of3A_213] : memref<8000000xf32, #tpu.memory_space<hbm>> -> memref<2000xf32, #tpu.memory_space<hbm>>
          %dma_start3A_235 = tpu.memref_slice %arg8[%multiple_of3A_213] : memref<8000000xf32, #tpu.memory_space<hbm>> -> memref<2000xf32, #tpu.memory_space<hbm>>
          tpu.enqueue_dma source(%arg14 : memref<2000xf32, #tpu.memory_space<vmem>>) target(%dma_start3A_235 : memref<2000xf32, #tpu.memory_space<hbm>>) target_semaphore(%run_scoped3A : memref<!tpu.dma_semaphore, #tpu.memory_space<semaphore_mem>>)
          %dma_wait3A_236 = tpu.memref_slice %arg8[%multiple_of3A_213] : memref<8000000xf32, #tpu.memory_space<hbm>> -> memref<2000xf32, #tpu.memory_space<hbm>>
          %dma_wait3A_237 = tpu.memref_slice %arg8[%multiple_of3A_213] : memref<8000000xf32, #tpu.memory_space<hbm>> -> memref<2000xf32, #tpu.memory_space<hbm>>
          tpu.wait_dma2 semaphore(%run_scoped3A : memref<!tpu.dma_semaphore, #tpu.memory_space<semaphore_mem>>) src(%arg14 : memref<2000xf32, #tpu.memory_space<vmem>>) dst(%dma_wait3A_237 : memref<2000xf32, #tpu.memory_space<hbm>>)
          tpu.yield
        }) : () -> ()
        %add3A_227 = arith.constant 2 : i32
        %add3A_228 = arith.addi %add3A_205, %add3A_227 : i32
        %lt3A_229 = arith.constant 25 : i32
        %lt3A_230 = arith.cmpi slt, %add3A_228, %lt3A_229 : i32
        %convert_element_type3A_231 = arith.extui %lt3A_230 : i1 to i32
        %cond3A_232 = arith.constant 0 : i32
        %cond3A_233 = arith.cmpi ne, %convert_element_type3A_231, %cond3A_232 : i32
        scf.if %cond3A_233 {
          %add3A_234 = arith.constant 2 : i32
          %add3A_235 = arith.addi %add3A_205, %add3A_234 : i32
          %mul3A_236 = arith.constant 16 : i32
          %mul3A_237 = arith.muli %add3A_235, %mul3A_236 : i32
          %add3A_238 = arith.addi %arg1, %mul3A_237 : i32
          %mul3A_239 = arith.constant 2000 : i32
          %mul3A_240 = arith.muli %add3A_238, %mul3A_239 : i32
          %multiple_of3A_241 = tpu.assume_multiple %mul3A_240, 8 : i32
          %add3A_242 = arith.addi %mul3A_14, %multiple_of3A_241 : i32
          %multiple_of3A_243 = tpu.assume_multiple %add3A_242, 8 : i32
          %dma_start3A_244 = tpu.memref_slice %arg5[%multiple_of3A_243] : memref<8000000xf32, #tpu.memory_space<hbm>> -> memref<2000xf32, #tpu.memory_space<hbm>>
          %dma_start3A_245 = tpu.memref_slice %arg5[%multiple_of3A_243] : memref<8000000xf32, #tpu.memory_space<hbm>> -> memref<2000xf32, #tpu.memory_space<hbm>>
          tpu.enqueue_dma source(%dma_start3A_245 : memref<2000xf32, #tpu.memory_space<hbm>>) target(%arg12 : memref<2000xf32, #tpu.memory_space<vmem>>) target_semaphore(%arg27 : memref<!tpu.dma_semaphore, #tpu.memory_space<semaphore_mem>>)
          %dma_start3A_246 = tpu.memref_slice %arg6[%multiple_of3A_243] : memref<8000000xf32, #tpu.memory_space<hbm>> -> memref<2000xf32, #tpu.memory_space<hbm>>
          %dma_start3A_247 = tpu.memref_slice %arg6[%multiple_of3A_243] : memref<8000000xf32, #tpu.memory_space<hbm>> -> memref<2000xf32, #tpu.memory_space<hbm>>
          tpu.enqueue_dma source(%dma_start3A_247 : memref<2000xf32, #tpu.memory_space<hbm>>) target(%arg14 : memref<2000xf32, #tpu.memory_space<vmem>>) target_semaphore(%arg27 : memref<!tpu.dma_semaphore, #tpu.memory_space<semaphore_mem>>)
        } else {
        }
      }
      %scan3A_150 = arith.constant 12 : i32
      %add3A_151 = arith.constant 384 : i32
      %add3A_152 = arith.addi %arg1, %add3A_151 : i32
      %mul3A_153 = arith.constant 2000 : i32
      %mul3A_154 = arith.muli %add3A_152, %mul3A_153 : i32
      %multiple_of3A_155 = tpu.assume_multiple %mul3A_154, 8 : i32
      %add3A_156 = arith.addi %mul3A_14, %multiple_of3A_155 : i32
      %multiple_of3A_157 = tpu.assume_multiple %add3A_156, 8 : i32
      %dma_wait3A_158 = arith.constant 0 : i32
      %dma_wait3A_159 = tpu.memref_slice %arg5[%dma_wait3A_158] : memref<8000000xf32, #tpu.memory_space<hbm>> -> memref<2000xf32, #tpu.memory_space<hbm>>
      %dma_wait3A_160 = arith.constant 0 : i32
      %dma_wait3A_161 = tpu.memref_slice %arg5[%dma_wait3A_160] : memref<8000000xf32, #tpu.memory_space<hbm>> -> memref<2000xf32, #tpu.memory_space<hbm>>
      tpu.wait_dma2 semaphore(%arg26 : memref<!tpu.dma_semaphore, #tpu.memory_space<semaphore_mem>>) src(%dma_wait3A_161 : memref<2000xf32, #tpu.memory_space<hbm>>) dst(%arg11 : memref<2000xf32, #tpu.memory_space<vmem>>)
      %dma_wait3A_162 = arith.constant 0 : i32
      %dma_wait3A_163 = tpu.memref_slice %arg6[%dma_wait3A_162] : memref<8000000xf32, #tpu.memory_space<hbm>> -> memref<2000xf32, #tpu.memory_space<hbm>>
      %dma_wait3A_164 = arith.constant 0 : i32
      %dma_wait3A_165 = tpu.memref_slice %arg6[%dma_wait3A_164] : memref<8000000xf32, #tpu.memory_space<hbm>> -> memref<2000xf32, #tpu.memory_space<hbm>>
      tpu.wait_dma2 semaphore(%arg26 : memref<!tpu.dma_semaphore, #tpu.memory_space<semaphore_mem>>) src(%dma_wait3A_165 : memref<2000xf32, #tpu.memory_space<hbm>>) dst(%arg13 : memref<2000xf32, #tpu.memory_space<vmem>>)
      "tpu.region"() ({
        %run_scoped3A = tpu.sem_alloc : memref<!tpu.dma_semaphore, #tpu.memory_space<semaphore_mem>>
        %dma_start3A_172 = tpu.memref_slice %arg9[%multiple_of3A_155] : memref<800512xf32, #tpu.memory_space<vmem_shared>> -> memref<2000xf32, #tpu.memory_space<vmem_shared>>
        %dma_start3A_173 = tpu.memref_slice %arg9[%multiple_of3A_155] : memref<800512xf32, #tpu.memory_space<vmem_shared>> -> memref<2000xf32, #tpu.memory_space<vmem_shared>>
        tpu.enqueue_dma source(%dma_start3A_173 : memref<2000xf32, #tpu.memory_space<vmem_shared>>) target(%arg15 : memref<2000xf32, #tpu.memory_space<vmem>>) target_semaphore(%run_scoped3A : memref<!tpu.dma_semaphore, #tpu.memory_space<semaphore_mem>>)
        %dma_wait3A_174 = tpu.memref_slice %arg9[%multiple_of3A_155] : memref<800512xf32, #tpu.memory_space<vmem_shared>> -> memref<2000xf32, #tpu.memory_space<vmem_shared>>
        %dma_wait3A_175 = tpu.memref_slice %arg9[%multiple_of3A_155] : memref<800512xf32, #tpu.memory_space<vmem_shared>> -> memref<2000xf32, #tpu.memory_space<vmem_shared>>
        tpu.wait_dma2 semaphore(%run_scoped3A : memref<!tpu.dma_semaphore, #tpu.memory_space<semaphore_mem>>) src(%dma_wait3A_175 : memref<2000xf32, #tpu.memory_space<vmem_shared>>) dst(%arg15 : memref<2000xf32, #tpu.memory_space<vmem>>)
        tpu.yield
      }) : () -> ()
      "tpu.region"() ({
        %run_scoped3A = tpu.sem_alloc : memref<!tpu.dma_semaphore, #tpu.memory_space<semaphore_mem>>
        %dma_start3A_172 = tpu.memref_slice %arg10[%multiple_of3A_155] : memref<800512xf32, #tpu.memory_space<vmem_shared>> -> memref<2000xf32, #tpu.memory_space<vmem_shared>>
        %dma_start3A_173 = tpu.memref_slice %arg10[%multiple_of3A_155] : memref<800512xf32, #tpu.memory_space<vmem_shared>> -> memref<2000xf32, #tpu.memory_space<vmem_shared>>
        tpu.enqueue_dma source(%dma_start3A_173 : memref<2000xf32, #tpu.memory_space<vmem_shared>>) target(%arg16 : memref<2000xf32, #tpu.memory_space<vmem>>) target_semaphore(%run_scoped3A : memref<!tpu.dma_semaphore, #tpu.memory_space<semaphore_mem>>)
        %dma_wait3A_174 = tpu.memref_slice %arg10[%multiple_of3A_155] : memref<800512xf32, #tpu.memory_space<vmem_shared>> -> memref<2000xf32, #tpu.memory_space<vmem_shared>>
        %dma_wait3A_175 = tpu.memref_slice %arg10[%multiple_of3A_155] : memref<800512xf32, #tpu.memory_space<vmem_shared>> -> memref<2000xf32, #tpu.memory_space<vmem_shared>>
        tpu.wait_dma2 semaphore(%run_scoped3A : memref<!tpu.dma_semaphore, #tpu.memory_space<semaphore_mem>>) src(%dma_wait3A_175 : memref<2000xf32, #tpu.memory_space<vmem_shared>>) dst(%arg16 : memref<2000xf32, #tpu.memory_space<vmem>>)
        tpu.yield
      }) : () -> ()
      %scan3A_166 = arith.constant 0 : i32
      %scan3A_167 = arith.constant 125 : i32
      %scan3A_168 = arith.addi %scan3A_166, %scan3A_167 : i32
      %scan3A_169 = arith.constant 1 : i32
      scf.for %scan3A_172 = %scan3A_166 to %scan3A_168 step %scan3A_169  : i32 {
        %mul3A_173 = arith.constant 16 : i32
        %mul3A_174 = arith.muli %scan3A_172, %mul3A_173 : i32
        %get3A = arith.index_cast %mul3A_174 : i32 to index
        %get3A_175 = tpu.vector_load %arg11[%get3A] {strides = array<i32>} : memref<2000xf32, #tpu.memory_space<vmem>>, vector<16xf32>,
        %mul3A_176 = arith.constant 16 : i32
        %mul3A_177 = arith.muli %scan3A_172, %mul3A_176 : i32
        %get3A_178 = arith.index_cast %mul3A_177 : i32 to index
        %get3A_179 = tpu.vector_load %arg13[%get3A_178] {strides = array<i32>} : memref<2000xf32, #tpu.memory_space<vmem>>, vector<16xf32>,
        %mul3A_180 = arith.constant 16 : i32
        %mul3A_181 = arith.muli %scan3A_172, %mul3A_180 : i32
        %get3A_182 = arith.index_cast %mul3A_181 : i32 to index
        %get3A_183 = tpu.vector_load %arg15[%get3A_182] {strides = array<i32>} : memref<2000xf32, #tpu.memory_space<vmem>>, vector<16xf32>,
        %mul3A_184 = arith.constant 16 : i32
        %mul3A_185 = arith.muli %scan3A_172, %mul3A_184 : i32
        %get3A_186 = arith.index_cast %mul3A_185 : i32 to index
        %get3A_187 = tpu.vector_load %arg16[%get3A_186] {strides = array<i32>} : memref<2000xf32, #tpu.memory_space<vmem>>, vector<16xf32>,
        %ne3A_188 = arith.cmpf one, %get3A_183, %get3A_175 : vector<16xf32>
        %bitcast3A = vector.bitcast %get3A_183 : vector<16xf32> to vector<16xi32>
        %shift_right_arithmetic3A = arith.constant 13 : i32
        %shift_right_arithmetic3A_189 = vector.broadcast %shift_right_arithmetic3A : i32 to vector<16xi32>
        %shift_right_arithmetic3A_190 = arith.shrsi %bitcast3A, %shift_right_arithmetic3A_189 : vector<16xi32>
        %and3A_191 = arith.constant 1 : i32
        %and3A_192 = vector.broadcast %and3A_191 : i32 to vector<16xi32>
        %and3A_193 = arith.andi %shift_right_arithmetic3A_190, %and3A_192 : vector<16xi32>
        %add3A_194 = arith.constant 4095 : i32
        %add3A_195 = vector.broadcast %add3A_194 : i32 to vector<16xi32>
        %add3A_196 = arith.addi %add3A_195, %and3A_193 : vector<16xi32>
        %add3A_197 = arith.addi %bitcast3A, %add3A_196 : vector<16xi32>
        %and3A_198 = arith.constant -8192 : i32
        %and3A_199 = vector.broadcast %and3A_198 : i32 to vector<16xi32>
        %and3A_200 = arith.andi %add3A_197, %and3A_199 : vector<16xi32>
        %bitcast3A_201 = vector.bitcast %and3A_200 : vector<16xi32> to vector<16xf32>
        %gt3A = arith.constant 0.000000e+00 : f32
        %gt3A_202 = vector.broadcast %gt3A : f32 to vector<16xf32>
        %gt3A_203 = arith.cmpf ogt, %get3A_183, %gt3A_202 : vector<16xf32>
        %jit3A_204 = arith.constant 0x7F800000 : f32
        %jit3A_205 = arith.constant 0xFF800000 : f32
        %broadcast_in_dim3A = vector.broadcast %jit3A_204 : f32 to vector<16xf32>
        %broadcast_in_dim3A_206 = vector.broadcast %jit3A_205 : f32 to vector<16xf32>
        %select_n3A_207 = arith.select %gt3A_203, %broadcast_in_dim3A, %broadcast_in_dim3A_206 : vector<16xi1>, vector<16xf32>
        %abs3A = math.absf %get3A_183 : vector<16xf32>
        %ge3A = arith.constant 6.552000e+04 : f32
        %ge3A_208 = vector.broadcast %ge3A : f32 to vector<16xf32>
        %ge3A_209 = arith.cmpf oge, %abs3A, %ge3A_208 : vector<16xf32>
        %select_n3A_210 = arith.select %ge3A_209, %select_n3A_207, %bitcast3A_201 : vector<16xi1>, vector<16xf32>
        %select_n3A_211 = arith.select %ne3A_188, %select_n3A_210, %get3A_175 : vector<16xi1>, vector<16xf32>
        %mul3A_212 = arith.constant 16 : i32
        %mul3A_213 = arith.muli %scan3A_172, %mul3A_212 : i32
        %swap3A = arith.index_cast %mul3A_213 : i32 to index
        %swap3A_214 = tpu.vector_load %arg11[%swap3A] {strides = array<i32>} : memref<2000xf32, #tpu.memory_space<vmem>>, vector<16xf32>,
        tpu.vector_store %arg11[%swap3A], %select_n3A_211 {strides = array<i32>} : memref<2000xf32, #tpu.memory_space<vmem>>, vector<16xf32>,
        %mul3A_215 = arith.mulf %get3A_175, %get3A_179 : vector<16xf32>
        %add3A_216 = arith.addf %mul3A_215, %get3A_187 : vector<16xf32>
        %div3A_217 = arith.divf %add3A_216, %get3A_183 : vector<16xf32>
        %bitcast3A_218 = vector.bitcast %div3A_217 : vector<16xf32> to vector<16xi32>
        %shift_right_arithmetic3A_219 = arith.constant 13 : i32
        %shift_right_arithmetic3A_220 = vector.broadcast %shift_right_arithmetic3A_219 : i32 to vector<16xi32>
        %shift_right_arithmetic3A_221 = arith.shrsi %bitcast3A_218, %shift_right_arithmetic3A_220 : vector<16xi32>
        %and3A_222 = arith.constant 1 : i32
        %and3A_223 = vector.broadcast %and3A_222 : i32 to vector<16xi32>
        %and3A_224 = arith.andi %shift_right_arithmetic3A_221, %and3A_223 : vector<16xi32>
        %add3A_225 = arith.constant 4095 : i32
        %add3A_226 = vector.broadcast %add3A_225 : i32 to vector<16xi32>
        %add3A_227 = arith.addi %add3A_226, %and3A_224 : vector<16xi32>
        %add3A_228 = arith.addi %bitcast3A_218, %add3A_227 : vector<16xi32>
        %and3A_229 = arith.constant -8192 : i32
        %and3A_230 = vector.broadcast %and3A_229 : i32 to vector<16xi32>
        %and3A_231 = arith.andi %add3A_228, %and3A_230 : vector<16xi32>
        %bitcast3A_232 = vector.bitcast %and3A_231 : vector<16xi32> to vector<16xf32>
        %gt3A_233 = arith.constant 0.000000e+00 : f32
        %gt3A_234 = vector.broadcast %gt3A_233 : f32 to vector<16xf32>
        %gt3A_235 = arith.cmpf ogt, %div3A_217, %gt3A_234 : vector<16xf32>
        %jit3A_236 = arith.constant 0x7F800000 : f32
        %jit3A_237 = arith.constant 0xFF800000 : f32
        %broadcast_in_dim3A_238 = vector.broadcast %jit3A_236 : f32 to vector<16xf32>
        %broadcast_in_dim3A_239 = vector.broadcast %jit3A_237 : f32 to vector<16xf32>
        %select_n3A_240 = arith.select %gt3A_235, %broadcast_in_dim3A_238, %broadcast_in_dim3A_239 : vector<16xi1>, vector<16xf32>
        %abs3A_241 = math.absf %div3A_217 : vector<16xf32>
        %ge3A_242 = arith.constant 6.552000e+04 : f32
        %ge3A_243 = vector.broadcast %ge3A_242 : f32 to vector<16xf32>
        %ge3A_244 = arith.cmpf oge, %abs3A_241, %ge3A_243 : vector<16xf32>
        %select_n3A_245 = arith.select %ge3A_244, %select_n3A_240, %bitcast3A_232 : vector<16xi1>, vector<16xf32>
        %select_n3A_246 = arith.select %ne3A_188, %select_n3A_245, %get3A_179 : vector<16xi1>, vector<16xf32>
        %mul3A_247 = arith.constant 16 : i32
        %mul3A_248 = arith.muli %scan3A_172, %mul3A_247 : i32
        %swap3A_249 = arith.index_cast %mul3A_248 : i32 to index
        %swap3A_250 = tpu.vector_load %arg13[%swap3A_249] {strides = array<i32>} : memref<2000xf32, #tpu.memory_space<vmem>>, vector<16xf32>,
        tpu.vector_store %arg13[%swap3A_249], %select_n3A_246 {strides = array<i32>} : memref<2000xf32, #tpu.memory_space<vmem>>, vector<16xf32>,
      }
      %scan3A_170 = arith.constant 125 : i32
      "tpu.region"() ({
        %run_scoped3A = tpu.sem_alloc : memref<!tpu.dma_semaphore, #tpu.memory_space<semaphore_mem>>
        %dma_start3A_172 = tpu.memref_slice %arg7[%multiple_of3A_157] : memref<8000000xf32, #tpu.memory_space<hbm>> -> memref<2000xf32, #tpu.memory_space<hbm>>
        %dma_start3A_173 = tpu.memref_slice %arg7[%multiple_of3A_157] : memref<8000000xf32, #tpu.memory_space<hbm>> -> memref<2000xf32, #tpu.memory_space<hbm>>
        tpu.enqueue_dma source(%arg11 : memref<2000xf32, #tpu.memory_space<vmem>>) target(%dma_start3A_173 : memref<2000xf32, #tpu.memory_space<hbm>>) target_semaphore(%run_scoped3A : memref<!tpu.dma_semaphore, #tpu.memory_space<semaphore_mem>>)
        %dma_wait3A_174 = tpu.memref_slice %arg7[%multiple_of3A_157] : memref<8000000xf32, #tpu.memory_space<hbm>> -> memref<2000xf32, #tpu.memory_space<hbm>>
        %dma_wait3A_175 = tpu.memref_slice %arg7[%multiple_of3A_157] : memref<8000000xf32, #tpu.memory_space<hbm>> -> memref<2000xf32, #tpu.memory_space<hbm>>
        tpu.wait_dma2 semaphore(%run_scoped3A : memref<!tpu.dma_semaphore, #tpu.memory_space<semaphore_mem>>) src(%arg11 : memref<2000xf32, #tpu.memory_space<vmem>>) dst(%dma_wait3A_175 : memref<2000xf32, #tpu.memory_space<hbm>>)
        tpu.yield
      }) : () -> ()
      "tpu.region"() ({
        %run_scoped3A = tpu.sem_alloc : memref<!tpu.dma_semaphore, #tpu.memory_space<semaphore_mem>>
        %dma_start3A_172 = tpu.memref_slice %arg8[%multiple_of3A_157] : memref<8000000xf32, #tpu.memory_space<hbm>> -> memref<2000xf32, #tpu.memory_space<hbm>>
        %dma_start3A_173 = tpu.memref_slice %arg8[%multiple_of3A_157] : memref<8000000xf32, #tpu.memory_space<hbm>> -> memref<2000xf32, #tpu.memory_space<hbm>>
        tpu.enqueue_dma source(%arg13 : memref<2000xf32, #tpu.memory_space<vmem>>) target(%dma_start3A_173 : memref<2000xf32, #tpu.memory_space<hbm>>) target_semaphore(%run_scoped3A : memref<!tpu.dma_semaphore, #tpu.memory_space<semaphore_mem>>)
        %dma_wait3A_174 = tpu.memref_slice %arg8[%multiple_of3A_157] : memref<8000000xf32, #tpu.memory_space<hbm>> -> memref<2000xf32, #tpu.memory_space<hbm>>
        %dma_wait3A_175 = tpu.memref_slice %arg8[%multiple_of3A_157] : memref<8000000xf32, #tpu.memory_space<hbm>> -> memref<2000xf32, #tpu.memory_space<hbm>>
        tpu.wait_dma2 semaphore(%run_scoped3A : memref<!tpu.dma_semaphore, #tpu.memory_space<semaphore_mem>>) src(%arg13 : memref<2000xf32, #tpu.memory_space<vmem>>) dst(%dma_wait3A_175 : memref<2000xf32, #tpu.memory_space<hbm>>)
        tpu.yield
      }) : () -> ()
      %barrier3A_171 = arith.constant 0 : index
      tpu.barrier barrier_id(%barrier3A_171)
    }
    %scan3A_9 = arith.constant 5 : i32
    return
  }
}

module attributes {stable_mosaic.version = 14 : i64} {
  func.func @_lin_body(%arg0: i32, %arg1: memref<8x1024xi32, #tpu.memory_space<vmem>>, %arg2: memref<8x1024xi32, #tpu.memory_space<vmem>>, %arg3: memref<8x1024xi32, #tpu.memory_space<vmem>>, %arg4: memref<8x1024xi32, #tpu.memory_space<vmem>>) attributes {dimension_semantics = [#tpu.dimension_semantics<arbitrary>], iteration_bounds = array<i64: 300>, scalar_prefetch = 0 : i64, scratch_operands = 0 : i64, tpu.core_type = #tpu.core_type<tc>, window_params = [{transform_indices = @transform_0, window_bounds = array<i64: 8, 1024>}, {transform_indices = @transform_1, window_bounds = array<i64: 8, 1024>}, {transform_indices = @transform_2, window_bounds = array<i64: 8, 1024>}, {transform_indices = @transform_3, window_bounds = array<i64: 8, 1024>}]} {
    %get3A = arith.constant 0 : index
    %get3A_0 = arith.constant 0 : index
    %get3A_1 = vector.load %arg1[%get3A, %get3A_0] : memref<8x1024xi32, #tpu.memory_space<vmem>>, vector<8x1024xi32>
    %mul3A = arith.constant 200 : i32
    %mul3A_2 = vector.broadcast %mul3A : i32 to vector<8x1024xi32>
    %mul3A_3 = arith.muli %get3A_1, %mul3A_2 : vector<8x1024xi32>
    %get3A_4 = arith.constant 0 : index
    %get3A_5 = arith.constant 0 : index
    %get3A_6 = vector.load %arg2[%get3A_4, %get3A_5] : memref<8x1024xi32, #tpu.memory_space<vmem>>, vector<8x1024xi32>
    %add3A = arith.addi %mul3A_3, %get3A_6 : vector<8x1024xi32>
    %mul3A_7 = arith.constant 200 : i32
    %mul3A_8 = vector.broadcast %mul3A_7 : i32 to vector<8x1024xi32>
    %mul3A_9 = arith.muli %add3A, %mul3A_8 : vector<8x1024xi32>
    %get3A_10 = arith.constant 0 : index
    %get3A_11 = arith.constant 0 : index
    %get3A_12 = vector.load %arg3[%get3A_10, %get3A_11] : memref<8x1024xi32, #tpu.memory_space<vmem>>, vector<8x1024xi32>
    %add3A_13 = arith.addi %mul3A_9, %get3A_12 : vector<8x1024xi32>
    %swap3A = arith.constant 0 : index
    %swap3A_14 = arith.constant 0 : index
    %swap3A_15 = vector.load %arg4[%swap3A, %swap3A_14] : memref<8x1024xi32, #tpu.memory_space<vmem>>, vector<8x1024xi32>
    tpu.vector_store %arg4[%swap3A, %swap3A_14], %add3A_13 {strides = array<i32>} : memref<8x1024xi32, #tpu.memory_space<vmem>>, vector<8x1024xi32>,
    return
  }
  func.func @transform_0(%arg0: i32) -> (i32, i32) {
    %c0_i32 = arith.constant 0 : i32
    %c0_i32_0 = arith.constant 0 : i32
    return %arg0, %c0_i32 : i32, i32
  }
  func.func @transform_1(%arg0: i32) -> (i32, i32) {
    %c0_i32 = arith.constant 0 : i32
    %c0_i32_0 = arith.constant 0 : i32
    return %arg0, %c0_i32 : i32, i32
  }
  func.func @transform_2(%arg0: i32) -> (i32, i32) {
    %c0_i32 = arith.constant 0 : i32
    %c0_i32_0 = arith.constant 0 : i32
    return %arg0, %c0_i32 : i32, i32
  }
  func.func @transform_3(%arg0: i32) -> (i32, i32) {
    %c0_i32 = arith.constant 0 : i32
    %c0_i32_0 = arith.constant 0 : i32
    return %arg0, %c0_i32 : i32, i32
  }
}

</mosaic_0001>

<sc_bundles>
// kernel: kernel.4.cloned.1.call-start
scs
__scs_entry_jumppad:
0x0: {  	(pc) =	sbr.rel $0x88, $3  }
0x1: {  	(tag) =	ssettag $0x0;
	lr =	simm.s32 $0x1  }
0x2: {  	[smem:$0x3F9A] =	sst lr;
	_ =	strace $0xD0000000  }
0x3: {  	_ = 	snop  }
0x4: {  	_ = 	snop  }
0x5: {  	_ = 	snop  }
0x6: {  	_ = 	snop  }
0x7: {  	_ = 	snop  }
__scs_overlays_trampoline_lowered:
0x8: {  	[smem:$0x3FA9] =	sst s0  }
0x9: {  	[smem:$0x3FAA] =	sst s1  }
0xa: {  	[smem:$0x3FAB] =	sst s2  }
0xb: {  	[smem:$0x3FAC] =	sst s3  }
0xc: {  	[smem:$0x3FAD] =	sst s4  }
0xd: {  	[smem:$0x3FAE] =	sst s5  }
0xe: {  	[smem:$0x3FAF] =	sst s6  }
0xf: {  	[smem:$0x3FB0] =	sst s7  }
0x10: {  	[smem:$0x3FB1] =	sst s8  }
0x11: {  	[smem:$0x3FB2] =	sst s9;
	s0 =	simm.s32 @!p0 $0x0  }
0x12: {  	s1 =	sld [smem:$0x3F98];
	s0 =	simm.s32 @p0 $0x1  }
0x13: {  	[smem:$0x3FB3] =	sst s0;
	s0 =	simm.s32 @!p1 $0x0  }
0x14: {  	s2 =	sld [smem:$0x3F97];
	s0 =	simm.s32 @p1 $0x1  }
0x15: {  	[smem:$0x3FB4] =	sst s0;
	s0 =	simm.s32 @!p2 $0x0  }
0x16: {  	s3 =	sld [smem:$0x3FDB];
	s0 =	simm.s32 @p2 $0x1  }
0x17: {  	s4 =	simm.s32 $0x1BF5;
	[smem:$0x3FB6] =	sst s0  }
0x18: {  	s0 =	sld [smem:$0x3F99];
	_ =	swait.ge [sflag:s4], $0x0  }
0x19: {  	s7 =	sld [smem:$0x3F9A]  }
0x1a: {  	s8 =	sadd.s32 $0xFFFFE003, lr  }
0x1b: {  	s9 =	sadd.s32 $0xFFFFFEF7, lr;
	s5 =	simm.s32 $0xFFFFFFFF;
	p2 =	slt.u32 s8, $0xFFFFF086  }
0x1c: {  	p1 =	slt.u32 s9, $0xF7A;
	s5 =	simm.s32 @!p2 $0x0  }
0x1d: {  	s5 =	simm.s32 @p1 $0x1;
	p0 =	seq.s32 s7, s2  }
0x1e: {  	s7 =	smul.u32 @!p0 $0xF7A, s2;
	p2 =	seq.s32 @!p0 s5, $0x0  }
0x1f: {  	s9 =	smul.u32 $0xF7A, s1;
	s8 =	simm.s32 @!p0 $0x1BF5;
	p2 =	por !p2, p0  }
0x20: {  	[sflag:s8] =	ssyncset.s32 @!p0 $0xFFFFF086;
	s6 =	sadd.s32 @!p0 s3, s7;
	s7 =	simm.s32 @!p0 $0x108  }
0x21: {  	s3 =	sadd.s32 s3, s9;
	s6 =	sadd.s32 @!p0 $0x88, s6;
	s7 =	simm.s32 @p2 $0x1082  }
0x22: {  	[simem:s7], [sflag:s8] =	dma.local @!p0 [hbm:s6], $0xF7A  }
0x23: {  	s9 =	sor.u32 $0xD0000000, s2;
	s6 =	simm.s32 $0x108;
	_ =	swait.ge @!p0 [sflag:s8], $0x0  }
0x24: {  	s3 =	sadd.s32 $0x88, s3;
	s6 =	simm.s32 @!p1 $0x1082;
	[sflag:s4] =	ssyncset.s32 $0xFFFFF086  }
0x25: {  	[simem:s6], [sflag:s4] =	dma.local [hbm:s3], $0xF7A  }
0x26: {  	[smem:$0x3F9A] =	sst s1;
	(tag) =	ssettag s2;
	_ =	strace s9  }
0x27: {  	s1 =	sld [smem:$0x3FAA]  }
0x28: {  	s2 =	sld [smem:$0x3FAB]  }
0x29: {  	s4 =	sld [smem:$0x3FAD]  }
0x2a: {  	p0 =	seq.s32 s5, $0x0;
	s5 =	sld [smem:$0x3FAE]  }
0x2b: {  	s6 =	sld [smem:$0x3FAF]  }
0x2c: {  	s7 =	sld [smem:$0x3FB0]  }
0x2d: {  	s3 =	simm.s32 $0x108;
	s8 =	sld [smem:$0x3FB1]  }
0x2e: {  	s3 =	simm.s32 @!p0 $0x1082;
	s9 =	sld [smem:$0x3FB2]  }
0x2f: {  	lr =	sadd.s32 s0, s3;
	s0 =	sld [smem:$0x3FA9]  }
0x30: {  	s3 =	sld [smem:$0x3FAC]  }
0x31: {  	[smem:$0x3FB5] =	sst s10  }
0x32: {  	s10 =	sld [smem:$0x3FB3];
	_ =	sdelay $0x3  }
0x33: {  	p0 =	seq.s32 s10, $0x1;
	s10 =	sld [smem:$0x3FB5];
	_ =	sdelay $0x3  }
0x34: {  	[smem:$0x3FB5] =	sst s10  }
0x35: {  	s10 =	sld [smem:$0x3FB4];
	_ =	sdelay $0x3  }
0x36: {  	p1 =	seq.s32 s10, $0x1;
	s10 =	sld [smem:$0x3FB5];
	_ =	sdelay $0x3  }
0x37: {  	[smem:$0x3FB5] =	sst s10  }
0x38: {  	s10 =	sld [smem:$0x3FB6]  }
0x39: {  	_ = 	snop;
	(pc) =	sbr.ind lr, $3  }
0x3a: {  	_ = 	snop  }
0x3b: {  	_ = 	snop  }
0x3c: {  	p2 =	seq.s32 s10, $0x1;
	s10 =	sld [smem:$0x3FB5]  }
0x3d: {  	_ =	shalt  }
0x3e: {  	_ =	shalt  }
0x3f: {  	_ =	shalt  }
0x40: {  	_ =	shalt  }
0x41: {  	_ =	shalt  }
0x42: {  	_ =	shalt  }
0x43: {  	_ =	shalt  }
0x44: {  	_ =	shalt  }
0x45: {  	_ =	shalt  }
0x46: {  	_ =	shalt  }
0x47: {  	_ =	shalt  }
0x48: {  	_ =	shalt  }
0x49: {  	_ =	shalt  }
0x4a: {  	_ =	shalt  }
0x4b: {  	_ =	shalt  }
0x4c: {  	_ =	shalt  }
0x4d: {  	_ =	shalt  }
0x4e: {  	_ =	shalt  }
0x4f: {  	_ =	shalt  }
0x50: {  	_ =	shalt  }
0x51: {  	_ =	shalt  }
0x52: {  	_ =	shalt  }
0x53: {  	_ =	shalt  }
0x54: {  	_ =	shalt  }
0x55: {  	_ =	shalt  }
0x56: {  	_ =	shalt  }
0x57: {  	_ =	shalt  }
0x58: {  	_ =	shalt  }
0x59: {  	_ =	shalt  }
0x5a: {  	_ =	shalt  }
0x5b: {  	_ =	shalt  }
0x5c: {  	_ =	shalt  }
0x5d: {  	_ =	shalt  }
0x5e: {  	_ =	shalt  }
0x5f: {  	_ =	shalt  }
0x60: {  	_ =	shalt  }
0x61: {  	_ =	shalt  }
0x62: {  	_ =	shalt  }
0x63: {  	_ =	shalt  }
0x64: {  	_ =	shalt  }
0x65: {  	_ =	shalt  }
0x66: {  	_ =	shalt  }
0x67: {  	_ =	shalt  }
0x68: {  	_ =	shalt  }
0x69: {  	_ =	shalt  }
0x6a: {  	_ =	shalt  }
0x6b: {  	_ =	shalt  }
0x6c: {  	_ =	shalt  }
0x6d: {  	_ =	shalt  }
0x6e: {  	_ =	shalt  }
0x6f: {  	_ =	shalt  }
0x70: {  	_ =	shalt  }
0x71: {  	_ =	shalt  }
0x72: {  	_ =	shalt  }
0x73: {  	_ =	shalt  }
0x74: {  	_ =	shalt  }
0x75: {  	_ =	shalt  }
0x76: {  	_ =	shalt  }
0x77: {  	_ =	shalt  }
0x78: {  	_ =	shalt  }
0x79: {  	_ =	shalt  }
0x7a: {  	_ =	shalt  }
0x7b: {  	_ =	shalt  }
0x7c: {  	_ =	shalt  }
0x7d: {  	_ =	shalt  }
0x7e: {  	_ =	shalt  }
0x7f: {  	_ =	shalt  }
0x80: {  	_ =	shalt  }
0x81: {  	_ =	shalt  }
0x82: {  	_ =	shalt  }
0x83: {  	_ =	shalt  }
0x84: {  	_ =	shalt  }
0x85: {  	_ =	shalt  }
0x86: {  	_ =	shalt  }
0x87: {  	_ =	shalt  }
.Lfunc_end0:
.L_simem_size_0:
called_computation_lowered:
.L_overlay_start_0:
0x88: {  	s2 =	sld [smem:$0x3FD9]  }
0x89: {  	s3 =	sld [smem:$0x3FFE];
	_ =	sdelay $0x1  }
0x8a: {  	s1 =	srdreg.scid  }
0x8b: {  	s0 =	sand.u32 $0x1, s1  }
0x8c: {  	s14 =	sshll.u32 s0, $0xA;
	s2 =	sadd.s32 s3, s2  }
0x8d: {  	s2 =	sadd.s32 s2, s14  }
0x8e: {  	[smem:$0x3FC1] =	sst s2  }
0x8f: {  	_ = 	snop  }
0x90: {  	s2 =	sld [smem:$0x3FD0];
	_ =	sdelay $0x2  }
0x91: {  	s15 =	simm.s32 $0xA;
	s4 =	simm.s32 $0x10  }
0x92: {  	[smem:s4], [sflag:s15] =	dma.local [hbm:s2], $0x1  }
0x93: {  	_ =	swait.eq [sflag:s15], $0x1  }
0x94: {  	s16 =	sld [smem:$0x10]  }
0x95: {  	s17 =	sld [smem:$0x11];
	[sflag:s15] =	ssyncset.done $0x0  }
0x96: {  	s5 =	sld [smem:$0x12];
	[sflag:s15] =	ssyncadd.s32 $0xFFFFFFFF  }
0x97: {  	s18 =	sld [smem:$0x13];
	(tm) =	ssettm $0x1  }
0x98: {  	s6 =	sld [smem:$0x3FFB];
	_ =	sdelay $0x3  }
0x99: {  	_ =	strace s6  }
0x9a: {  	s6 =	sld [smem:$0x3FFC];
	_ =	sdelay $0x3  }
0x9b: {  	_ =	strace s6  }
0x9c: {  	s6 =	sld [smem:$0x3FFD];
	_ =	sdelay $0x3  }
0x9d: {  	_ =	strace s6  }
0x9e: {  	_ =	strace $0x8FFFFFFF  }
0x9f: {  	s19 =	sld [smem:$0x3FDB];
	_ =	sdelay $0x1  }
0xa0: {  	s7 =	simm.s32 $_scs_section_size  }
0xa1: {  	s8 =	simm.s32 $_size__tile_overlayer_lowered;
	s9 =	simm.s32 $_tile_overlayer_lowered  }
0xa2: {  	s22 =	simm.s32 $0x1BFF;
	s21 =	sshll.u32 s9, $0x1;
	s6 =	sadd.s32 s7, s19  }
0xa3: {  	s10 =	simm.s32 $0x0;
	s20 =	sshll.u32 s8, $0x1;
	s8 =	sadd.s32 s21, s6  }
0xa4: {  	[timem:s10], [sflag:s22] =	dma.local [hbm:s8], s20  }
0xa5: {  	_ =	swait.ge [sflag:s22], s20  }
0xa6: {  	s7 =	ssub.s32 $0x0, s20;
	[sflag:s22] =	ssyncset.done $0x0  }
0xa7: {  	[sflag:s22] =	ssyncadd.s32 s7;
	_ =	sdelay $0x1  }
0xa8: {  	s23 =	simm.s32 $0x1B8B  }
0xa9: {  	_ =	swait.ge [sflag:s23], $0x1  }
0xaa: {  	[sflag:s23] =	ssyncset.done $0x0  }
0xab: {  	s25 =	simm.s32 $0x1B8E;
	s24 =	sld [smem:$0x3FFE];
	[sflag:s23] =	ssyncadd.s32 $0xFFFFFFFF  }
0xac: {  	s26 =	simm.s32 $execute0_lowered;
	[smem:$0x3FD2] =	sst s25  }
0xad: {  	s8 =	sshll.u32 s26, $0x1;
	_ =	strace $0x80000046;
	[dreg:$0x1] =	wrdreg $0xFFFFFFFF  }
0xae: {  	s28 =	simm.s32 $_size_execute0_lowered;
	s6 =	sadd.s32 s6, s8;
	[dreg:$0x0] =	wrdreg $0x0  }
0xaf: {  	s8 =	sshll.u32 s28, $0x1;
	[dreg:$0x2] =	wrdreg s6  }
0xb0: {  	[dreg:$0x3] =	wrdreg s8  }
0xb1: {  	[dreg:$0x4] =	wrdreg $0xC0  }
0xb2: {  	_ =	task [dreg:s10], $0x5FFFF  }
0xb3: {  	[dreg:$0x1] =	wrdreg $0xFFFFFFFF  }
0xb4: {  	[dreg:$0x0] =	wrdreg $0x60  }
0xb5: {  	[dreg:$0x2] =	wrdreg s16  }
0xb6: {  	[dreg:$0x3] =	wrdreg s24  }
0xb7: {  	[dreg:$0x4] =	wrdreg s18  }
0xb8: {  	[dreg:$0x5] =	wrdreg s5  }
0xb9: {  	[dreg:$0x6] =	wrdreg s17  }
0xba: {  	[dreg:$0x7] =	wrdreg $0x0  }
0xbb: {  	[dreg:$0x8] =	wrdreg $0xC3700  }
0xbc: {  	[dreg:$0x9] =	wrdreg $0x9  }
0xbd: {  	_ =	task.clear_ibuf [dreg:s10], $0xAFFFF;
	_ =	strace $0x90000046  }
0xbe: {  	s29 =	simm.s32 $0x9;
	_ =	strace $0x80000048  }
0xbf: {  	_ =	swait.ge [sflag:s29], $0x1  }
0xc0: {  	[sflag:s29] =	ssyncadd.s32 $0xFFFFFFFF  }
0xc1: {  	_ =	strace $0x90000048  }
0xc2: {  	_ =	sfence  }
0xc3: {  	s30 =	sld [smem:$0x0];
	_ =	sdelay $0x2  }
0xc4: {  	s31 =	sshll.u32 s1, $0xD;
	s1 =	sshrl.u32 s1, $0x2  }
0xc5: {  	s3 =	sand.u32 $0x4000, s31;
	s1 =	sadd.s32 s1, s30  }
0xc6: {  	s0 =	sor.u32 s3, s0;
	s1 =	sshll.u32 s1, $0x11  }
0xc7: {  	s0 =	sor.u32 s1, s0  }
0xc8: {  	s0 =	sadd.s32 $0x8F2B, s0  }
0xc9: {  	[sflag:s0] =	ssyncadd.remote.s32 $0x1  }
0xca: {  	_ =	sfence.sel $0xFFFF  }
0xcb: {  	[dreg:$0x0] =	wrdreg $0xFFFFFFFF;
	(pc) =	sbr.abs _section_cstart, $3  }
0xcc: {  	[dreg:$0x1] =	wrdreg $0xFFFFFFFF  }
0xcd: {  	_ =	task.clear_ibuf [dreg:s10], $0x2FFFF;
	_ =	strace $0x9FFFFFFF  }
0xce: {  	(tm) =	ssettm $0x7FFFFFFF  }
0xcf: {  	_ =	shalt  }
tec
execute0_lowered:
.L_overlay_start_1:
0x0: {  	(tag) =	ssettag $0x1  }
0x1: {  	s7 =	rddreg [dreg:$0x0]  }
0x2: {  	s0 =	rddreg [dreg:$0x1]  }
0x3: {  	s25 =	rddreg [dreg:$0x2]  }
0x4: {  	s28 =	rddreg [dreg:$0x3]  }
0x5: {  	s12 =	rddreg [dreg:$0x4]  }
0x6: {  	s5 =	rddreg [dreg:$0x5]  }
0x7: {  	s6 =	rddreg [dreg:$0x6];
	s8 =	simm.s32 $0x0;
	s1 =	srdreg.scid  }
0x8: {  	s13 =	stileid.u32;
	[smem:$0x7FF] =	sst s8  }
0x9: {  	s9 =	sadd.s32 $0x4B3200, s0;
	s1 =	sand.u32 $0x1, s1;
	s2 =	smul.u32 $0x25800, s13  }
0xa: {  	s10 =	sadd.s32 $0x3200, s0;
	s11 =	sadd.s32 $0xC800, s0;
	s14 =	smul.u32 $0x7D0, s13  }
0xb: {  	_ =	strace $0x80000047;
	s17 =	ssub.s32 $0x2, s1;
	s4 =	smul.u32 $0x5, s1  }
0xc: {  	s1 =	smul.u32 $0x3D0900, s1;
	s3 =	sshrl.u32 s17, $0x1;
	s18 =	sshrl.u32 s2, $0x3  }
0xd: {  	s21 =	sshrl.u32 s2, $0x6;
	s22 =	sor.u32 $0x400, s2;
	[dreg:$0x9] =	wrdreg s14  }
0xe: {  	s26 =	sadd.s32 $0x800, s2;
	s29 =	sadd.s32 $0xABE00, s14;
	[dreg:$0x8] =	wrdreg s4  }
0xf: {  	s2 =	sadd.s32 $0xC00, s2;
	s16 =	sadd.s32 $0xB3B00, s14;
	[dreg:$0x10] =	wrdreg s26  }
0x10: {  	s0 =	ssub.s32 s17, s3;
	s19 =	sadd.s32 s7, s18;
	[dreg:$0x11] =	wrdreg s2  }
0x11: {  	s20 =	sadd.s32 s9, s18;
	s3 =	sadd.s32 s10, s21;
	[dreg:$0xa] =	wrdreg s19  }
0x12: {  	s23 =	sshrl.u32 s22, $0x3;
	s4 =	sshrl.u32 s22, $0x6;
	[dreg:$0xb] =	wrdreg s20  }
0x13: {  	s15 =	sadd.s32 s14, s1;
	s17 =	sadd.s32 s16, s5;
	[dreg:$0xc] =	wrdreg s3  }
0x14: {  	s1 =	sadd.s32 s16, s6;
	s22 =	sadd.s32 $0x7D00, s14;
	[dreg:$0x15] =	wrdreg s17  }
0x15: {  	s26 =	sor.u32 $0x30, s13;
	s16 =	simm.s32 $0x18EE0;
	[dreg:$0x16] =	wrdreg s1  }
0x16: {  	s2 =	simm.s32 $0x0;
	s7 =	sadd.s32 s7, s23;
	[dreg:$0x19] =	wrdreg s22  }
0x17: {  	s3 =	sadd.s32 s9, s23;
	s24 =	sadd.s32 s10, s4;
	[dreg:$0x1c] =	wrdreg s26  }
0x18: {  	s0 =	smax.u32 s0, $0x1;
	s4 =	sadd.s32 s29, s5;
	[dreg:$0xd] =	wrdreg s7  }
0x19: {  	s18 =	sadd.s32 $0x17700, s15;
	s19 =	smul.u32 $0x1F40, s13;
	[dreg:$0xe] =	wrdreg s3  }
0x1a: {  	s23 =	sor.u32 $0x20, s13;
	s13 =	simm.s32 $0x1;
	[dreg:$0xf] =	wrdreg s24  }
0x1b: {  	s17 =	simm.s32 $0x5;
	s26 =	simm.s32 $0x1C760;
	[dreg:$0x12] =	wrdreg s0  }
0x1c: {  	[dreg:$0x13] =	wrdreg s4;
	s7 =	sadd.s32 s29, s6;
	s20 =	sshrl.u32 s18, $0x3  }
0x1d: {  	s0 =	sadd.s32 $0xFA00, s15;
	[dreg:$0x1a] =	wrdreg s23;
	s24 =	sadd.s32 $0xBB800, s14  }
0x1e: {  	s15 =	simm.s32 $0x186E0;
	s18 =	simm.s32 $0x1AEE0;
	s23 =	simm.s32 $0x1C6E0  }
0x1f: {  	s14 =	simm.s32 $0x3;
	[dreg:$0x14] =	wrdreg s7;
	s1 =	sadd.s32 s20, s25  }
0x20: {  	s0 =	sshrl.u32 s0, $0x3;
	s21 =	sshrl.u32 s19, $0x2;
	[dreg:$0x1b] =	wrdreg s24  }
0x21: {  	s29 =	sadd.s32 s24, s5;
	s19 =	simm.s32 $0x2;
	[dreg:$0x17] =	wrdreg s1  }
0x22: {  	s7 =	simm.s32 $0x4;
	s0 =	sadd.s32 s0, s25;
	[dreg:$0x1d] =	wrdreg s29  }
0x23: {  	v0 =	vlaneseq.u32;
	v1 =	vimm.f32 $0.0e+00;
	s30 =	sadd.s32 s21, s5;
	[dreg:$0x18] =	wrdreg s0;
	s0 =	sadd.s32 s24, s6  }
0x24: {  	v3 =	vimm.s32 $0x0;
	v4 =	vimm.f32 $-Inf;
	v2 =	vshrl.u32 v0, $0x3;
	s31 =	sadd.s32 s21, s6;
	s1 =	smov.u32 s12;
	[dreg:$0x1e] =	wrdreg s0  }
.LBB2_1:
0x25: {  	v5 =	vor.u32 s8, v0  }
0x26: {  	v5 =	vand.u32 $0x1FF, v5  }
0x27: {  	s0 =	simm.s32 $0x1C7E0;
	v5 =	vadd.s32 $0xC3500, v5  }
0x28: {  	[dreg:$0x1f] =	wrdreg s2;
	s2 =	simm.s32 $0x10;
	[tilespmem:s0+$0x0] =	vst v5  }
.LBB2_2:
0x29: {  	p0 =	sne.s32 s2, $0xFF0  }
.Ltmp0:
0x2a: {  	_ = 	snop;
	(pc) =	sbr.rel @p0 .LBB2_2-.Ltmp0, $4  }
0x2b: {  	v5 =	vor.u32 s2, v0  }
0x2c: {  	v5 =	vand.u32 $0x1FF, v5  }
0x2d: {  	s0 =	sadd.s32 $0x10, s0;
	v5 =	vadd.s32 $0xC3500, v5  }
0x2e: {  	s2 =	sadd.s32 $0x10, s2;
	s12 =	simm.s32 $0x0;
	[tilespmem:s0+$0x0] =	vst v5  }
0x2f: {  	s4 =	rddreg [dreg:$0x18]  }
0x30: {  	s20 =	rddreg [dreg:$0x17]  }
.LBB2_4:
0x31: {  	s0 =	simm.s32 $0x40;
	s2 =	simm.s32 $0x0  }
.LBB2_5:
0x32: {  	p0 =	sne.s32 s0, $0x1F00;
	[tilespmem:s2+$0x1AEE0] =	vst v1;
	s2 =	smov.u32 s0;
	s0 =	sadd.s32 $0x40, s0  }
.Ltmp1:
0x33: {  	(pc) =	sbr.rel @p0 .LBB2_5-.Ltmp1, $2  }
0x34: {  	_ =	sdelay $0x2  }
0x35: {  	s2 =	sshra.s32 s2, $0x2  }
0x36: {  	s0 =	rddreg [dreg:$0x8]  }
0x37: {  	s0 =	sadd.s32 s0, s12  }
0x38: {  	s0 =	smul.u32 $0xC3500, s0  }
0x39: {  	s3 =	rddreg [dreg:$0x9]  }
0x3a: {  	s3 =	sadd.s32 s3, s0  }
0x3b: {  	s21 =	rddreg [dreg:$0x19];
	s3 =	sshrl.u32 s3, $0x3  }
0x3c: {  	[tilespmem:s2+$0x1AEE0] =	vst v1;
	s29 =	simm.s32 $0x0;
	[smem:$0x7F8] =	sst s3;
	s3 =	sadd.s32 s25, s3  }
0x3d: {  	[tilespmem:s15], [sflag:$0x1] =	stream.linear.gather [hbm4b:s3+s29], $0x7D0, $0x38;
	[tilespmem:$0x1F7E0] =	vst v63  }
0x3e: {  	[smem:$0x7F9] =	sst s3;
	s3 =	sadd.s32 s0, s21  }
0x3f: {  	s3 =	sshrl.u32 s3, $0x3  }
0x40: {  	[smem:$0x7FA] =	sst s3;
	s3 =	sadd.s32 s25, s3  }
0x41: {  	[smem:$0x7FB] =	sst s3  }
0x42: {  	[tilespmem:s16], [sflag:$0x2] =	stream.linear.gather [hbm4b:s3+s29], $0x7D0, $0x38;
	[tilespmem:$0x1F7E0] =	vst v63  }
0x43: {  	_ =	swait.ge [sflag:s13], $0x7D0  }
0x44: {  	[sflag:s13] =	ssyncset.done $0x0  }
0x45: {  	s22 =	sadd.s32 $0x0, s30;
	[sflag:s13] =	ssyncadd.s32 $0xFFFFF830  }
0x46: {  	[spmem:s22] =	stream.linear.scatter [tilespmem:s15], [sflag:$0x5], $0x7D0, $0x38;
	[tilespmem:$0x1F7E0] =	vst v63  }
0x47: {  	_ =	swait.ge [sflag:s17], $0x7D0  }
0x48: {  	[sflag:s17] =	ssyncset.done $0x0  }
0x49: {  	s24 =	sadd.s32 $0x0, s31;
	[sflag:s17] =	ssyncadd.s32 $0xFFFFF830  }
0x4a: {  	[spmem:s24] =	stream.linear.scatter [tilespmem:s18], [sflag:$0x5], $0x7D0, $0x38;
	[tilespmem:$0x1F7E0] =	vst v63  }
0x4b: {  	_ =	swait.ge [sflag:s17], $0x7D0  }
0x4c: {  	[sflag:s17] =	ssyncset.done $0x0  }
0x4d: {  	[sflag:s17] =	ssyncadd.s32 $0xFFFFF830  }
0x4e: {  	[tilespmem:s15], [sflag:$0x1] =	stream.linear.gather [hbm4b:s4+s8], $0x7D0, $0x38;
	[tilespmem:$0x1F7E0] =	vst v63  }
0x4f: {  	_ =	swait.ge [sflag:s19], $0x7D0  }
0x50: {  	[sflag:s19] =	ssyncset.done $0x0  }
0x51: {  	s2 =	sadd.s32 $0x7D00, s22;
	[sflag:s19] =	ssyncadd.s32 $0xFFFFF830  }
0x52: {  	[spmem:s2] =	stream.linear.scatter [tilespmem:s16], [sflag:$0x5], $0x7D0, $0x38;
	[tilespmem:$0x1F7E0] =	vst v63  }
0x53: {  	_ =	swait.ge [sflag:s17], $0x7D0  }
0x54: {  	[sflag:s17] =	ssyncset.done $0x0  }
0x55: {  	s29 =	sadd.s32 $0x7D00, s24;
	[sflag:s17] =	ssyncadd.s32 $0xFFFFF830  }
0x56: {  	[spmem:s29] =	stream.linear.scatter [tilespmem:s18], [sflag:$0x5], $0x7D0, $0x38;
	[tilespmem:$0x1F7E0] =	vst v63  }
0x57: {  	s3 =	simm.s32 $0x3E800;
	_ =	swait.ge [sflag:s17], $0x7D0  }
0x58: {  	s2 =	sadd.s32 $0x1F40, s20;
	[sflag:s17] =	ssyncset.done $0x0;
	[smem:$0x7FC] =	sst s4  }
0x59: {  	s4 =	sadd.s32 $0x1F40, s4;
	[smem:$0x7FD] =	sst s20;
	[sflag:s17] =	ssyncadd.s32 $0xFFFFF830  }
.LBB2_7:
0x5a: {  	[tilespmem:s16], [sflag:$0x2] =	stream.linear.gather [hbm4b:s20+s8], $0x7D0, $0x38;
	[tilespmem:$0x1F7E0] =	vst v63  }
0x5b: {  	s21 =	smov.u32 s3;
	s20 =	smov.u32 s2  }
0x5c: {  	p0 =	sne.s32 s3, $0x271000;
	s3 =	sadd.s32 $0x3E800, s3;
	_ =	swait.ge [sflag:s13], $0x7D0  }
0x5d: {  	s21 =	sshra.s32 s21, $0x2;
	[sflag:s13] =	ssyncset.done $0x0  }
0x5e: {  	s22 =	sadd.s32 s21, s30;
	[sflag:s13] =	ssyncadd.s32 $0xFFFFF830  }
0x5f: {  	[spmem:s22] =	stream.linear.scatter [tilespmem:s15], [sflag:$0x5], $0x7D0, $0x38;
	[tilespmem:$0x1F7E0] =	vst v63  }
0x60: {  	_ =	swait.ge [sflag:s17], $0x7D0  }
0x61: {  	[sflag:s17] =	ssyncset.done $0x0  }
0x62: {  	s21 =	sadd.s32 s21, s31;
	[sflag:s17] =	ssyncadd.s32 $0xFFFFF830  }
0x63: {  	[spmem:s21] =	stream.linear.scatter [tilespmem:s18], [sflag:$0x5], $0x7D0, $0x38;
	[tilespmem:$0x1F7E0] =	vst v63  }
0x64: {  	_ =	swait.ge [sflag:s17], $0x7D0  }
0x65: {  	[sflag:s17] =	ssyncset.done $0x0  }
0x66: {  	[sflag:s17] =	ssyncadd.s32 $0xFFFFF830  }
0x67: {  	[tilespmem:s15], [sflag:$0x1] =	stream.linear.gather [hbm4b:s4+s8], $0x7D0, $0x38;
	[tilespmem:$0x1F7E0] =	vst v63  }
0x68: {  	_ =	swait.ge [sflag:s19], $0x7D0  }
0x69: {  	[sflag:s19] =	ssyncset.done $0x0  }
0x6a: {  	s22 =	sadd.s32 $0x7D00, s22;
	[sflag:s19] =	ssyncadd.s32 $0xFFFFF830  }
0x6b: {  	[spmem:s22] =	stream.linear.scatter [tilespmem:s16], [sflag:$0x5], $0x7D0, $0x38;
	[tilespmem:$0x1F7E0] =	vst v63  }
0x6c: {  	_ =	swait.ge [sflag:s17], $0x7D0  }
0x6d: {  	[sflag:s17] =	ssyncset.done $0x0  }
.Ltmp2:
0x6e: {  	s21 =	sadd.s32 $0x7D00, s21;
	[sflag:s17] =	ssyncadd.s32 $0xFFFFF830;
	(pc) =	sbr.rel @p0 .LBB2_7-.Ltmp2, $4  }
0x6f: {  	[spmem:s21] =	stream.linear.scatter [tilespmem:s18], [sflag:$0x5], $0x7D0, $0x38;
	[tilespmem:$0x1F7E0] =	vst v63  }
0x70: {  	_ =	swait.ge [sflag:s17], $0x7D0  }
0x71: {  	[sflag:s17] =	ssyncset.done $0x0  }
0x72: {  	s2 =	sadd.s32 $0x1F40, s2;
	s4 =	sadd.s32 $0x1F40, s4;
	[sflag:s17] =	ssyncadd.s32 $0xFFFFF830  }
0x73: {  	[tilespmem:s16], [sflag:$0x2] =	stream.linear.gather [hbm4b:s20+s8], $0x7D0, $0x38;
	[tilespmem:$0x1F7E0] =	vst v63  }
0x74: {  	_ =	swait.ge [sflag:s13], $0x7D0  }
0x75: {  	[sflag:s13] =	ssyncset.done $0x0  }
0x76: {  	s2 =	rddreg [dreg:$0x13];
	[sflag:s13] =	ssyncadd.s32 $0xFFFFF830  }
0x77: {  	[spmem:s2] =	stream.linear.scatter [tilespmem:s15], [sflag:$0x5], $0x7D0, $0x38;
	[tilespmem:$0x1F7E0] =	vst v63  }
0x78: {  	_ =	swait.ge [sflag:s17], $0x7D0  }
0x79: {  	[sflag:s17] =	ssyncset.done $0x0  }
0x7a: {  	s22 =	rddreg [dreg:$0x14];
	[sflag:s17] =	ssyncadd.s32 $0xFFFFF830  }
0x7b: {  	[spmem:s22] =	stream.linear.scatter [tilespmem:s18], [sflag:$0x5], $0x7D0, $0x38;
	[tilespmem:$0x1F7E0] =	vst v63  }
0x7c: {  	_ =	swait.ge [sflag:s17], $0x7D0  }
0x7d: {  	s24 =	rddreg [dreg:$0x1b]  }
0x7e: {  	s2 =	sadd.s32 s0, s24  }
0x7f: {  	s4 =	simm.s32 $0x0;
	[sflag:s17] =	ssyncset.done $0x0;
	s2 =	sshrl.u32 s2, $0x3  }
0x80: {  	[sflag:s17] =	ssyncadd.s32 $0xFFFFF830;
	[smem:$0x7F7] =	sst s2;
	s2 =	sadd.s32 s25, s2  }
0x81: {  	[tilespmem:s15], [sflag:$0x1] =	stream.linear.gather [hbm4b:s2+s4], $0x7D0, $0x38;
	[tilespmem:$0x1F7E0] =	vst v63  }
0x82: {  	_ =	swait.ge [sflag:s19], $0x7D0  }
0x83: {  	[sflag:s19] =	ssyncset.done $0x0  }
0x84: {  	s29 =	rddreg [dreg:$0x15];
	[sflag:s19] =	ssyncadd.s32 $0xFFFFF830  }
0x85: {  	[spmem:s29] =	stream.linear.scatter [tilespmem:s16], [sflag:$0x5], $0x7D0, $0x38;
	[tilespmem:$0x1F7E0] =	vst v63  }
0x86: {  	_ =	swait.ge [sflag:s17], $0x7D0  }
0x87: {  	[sflag:s17] =	ssyncset.done $0x0  }
0x88: {  	s3 =	rddreg [dreg:$0x16];
	[sflag:s17] =	ssyncadd.s32 $0xFFFFF830  }
0x89: {  	[spmem:s3] =	stream.linear.scatter [tilespmem:s18], [sflag:$0x5], $0x7D0, $0x38;
	[tilespmem:$0x1F7E0] =	vst v63  }
0x8a: {  	_ =	swait.ge [sflag:s17], $0x7D0  }
0x8b: {  	[sflag:s17] =	ssyncset.done $0x0  }
0x8c: {  	[sflag:s17] =	ssyncadd.s32 $0xFFFFF830  }
0x8d: {  	_ =	swait.ge [sflag:s13], $0x7D0  }
0x8e: {  	[sflag:s13] =	ssyncset.done $0x0  }
0x8f: {  	s20 =	rddreg [dreg:$0x1d];
	[sflag:s13] =	ssyncadd.s32 $0xFFFFF830  }
0x90: {  	[spmem:s20] =	stream.linear.scatter [tilespmem:s15], [sflag:$0x5], $0x7D0, $0x38;
	[tilespmem:$0x1F7E0] =	vst v63  }
0x91: {  	_ =	swait.ge [sflag:s17], $0x7D0  }
0x92: {  	[sflag:s17] =	ssyncset.done $0x0  }
0x93: {  	s21 =	rddreg [dreg:$0x1e];
	[sflag:s17] =	ssyncadd.s32 $0xFFFFF830  }
0x94: {  	[spmem:s21] =	stream.linear.scatter [tilespmem:s18], [sflag:$0x5], $0x7D0, $0x38;
	[tilespmem:$0x1F7E0] =	vst v63  }
0x95: {  	_ =	swait.ge [sflag:s17], $0x7D0  }
0x96: {  	[sflag:s17] =	ssyncset.done $0x0  }
0x97: {  	[sflag:s17] =	ssyncadd.s32 $0xFFFFF830  }
0x98: {  	[bflag:$0x0] =	sbarrier.arrive $0xFFFF  }
0x99: {  	s3 =	simm.s32 $0x1B6E0;
	s22 =	rddreg [dreg:$0xa]  }
0x9a: {  	[tilespmem:s3], [sflag:$0x3] =	stream.linear.gather [hbm4b:s22+s4], $0x400, $0x38;
	[tilespmem:$0x1F7E0] =	vst v63  }
0x9b: {  	s29 =	simm.s32 $0x1BEE0;
	s24 =	rddreg [dreg:$0xb]  }
0x9c: {  	[tilespmem:s29], [sflag:$0x3] =	stream.linear.gather [hbm4b:s24+s4], $0x400, $0x38;
	[tilespmem:$0x1F7E0] =	vst v63  }
0x9d: {  	s3 =	rddreg [dreg:$0xc]  }
0x9e: {  	[tilespmem:s23], [sflag:$0x3] =	stream.linear.gather [hbm4b:s3+s4], $0x80, $0x38;
	[tilespmem:$0x1F7E0] =	vst v63  }
0x9f: {  	s21 =	simm.s32 $0x1BAE0;
	s20 =	rddreg [dreg:$0xd]  }
0xa0: {  	[tilespmem:s21], [sflag:$0x4] =	stream.linear.gather [hbm4b:s20+s4], $0x400, $0x38;
	[tilespmem:$0x1F7E0] =	vst v63  }
0xa1: {  	s22 =	rddreg [dreg:$0xe];
	s24 =	simm.s32 $0x1C2E0  }
0xa2: {  	[tilespmem:s24], [sflag:$0x4] =	stream.linear.gather [hbm4b:s22+s4], $0x400, $0x38;
	[tilespmem:$0x1F7E0] =	vst v63  }
0xa3: {  	s29 =	rddreg [dreg:$0xf];
	s3 =	simm.s32 $0x0  }
0xa4: {  	v5 =	vmov s0;
	[tilespmem:s26], [sflag:$0x4] =	stream.linear.gather [hbm4b:s29+s4], $0x80, $0x38;
	[tilespmem:$0x1F7E0] =	vst v63  }
.LBB2_9:
0xa5: {  	p0 =	slt.s32 s4, $0xC01  }
.Ltmp3:
0xa6: {  	_ = 	snop;
	(pc) =	sbr.rel @p0 .LBB2_12-.Ltmp3, $1  }
0xa7: {  	_ =	sdelay $0x3  }
0xa8: {  	s2 =	simm.s32 $0x1C7E0;
	s4 =	simm.s32 $0x1000;
	s20 =	simm.s32 $0x1D7E0  }
0xa9: {  	[spmem:s5] =	stream.indirect.scatter.add.f32 [tilespmem:s20], [sflag:$0x5], $0x1, s2, s4, $0xb8;
	[tilespmem:$0x1F7E0] =	vst v63  }
0xaa: {  	_ =	swait.ge [sflag:s17], $0x1000  }
0xab: {  	[sflag:s17] =	ssyncset.done $0x0  }
0xac: {  	s29 =	simm.s32 $0x1E7E0;
	[sflag:s17] =	ssyncadd.s32 $0xFFFFF000  }
0xad: {  	[spmem:s6] =	stream.indirect.scatter.add.f32 [tilespmem:s29], [sflag:$0x5], $0x1, s2, s4, $0xb8;
	[tilespmem:$0x1F7E0] =	vst v63  }
0xae: {  	s4 =	simm.s32 $0x0  }
0xaf: {  	_ =	swait.ge [sflag:s17], $0x1000;
	v6 =	vor.u32 s4, v0  }
0xb0: {  	[sflag:s17] =	ssyncset.done $0x0;
	v6 =	vand.u32 $0x1FF, v6  }
0xb1: {  	[sflag:s17] =	ssyncadd.s32 $0xFFFFF000;
	v6 =	vadd.s32 $0xC3500, v6  }
0xb2: {  	s20 =	simm.s32 $0x10;
	[tilespmem:s2+$0x0] =	vst v6  }
.LBB2_11:
0xb3: {  	p0 =	sne.s32 s20, $0xFF0  }
.Ltmp4:
0xb4: {  	_ = 	snop;
	(pc) =	sbr.rel @p0 .LBB2_11-.Ltmp4, $4  }
0xb5: {  	v6 =	vor.u32 s20, v0  }
0xb6: {  	v6 =	vand.u32 $0x1FF, v6  }
0xb7: {  	s2 =	sadd.s32 $0x10, s2;
	v6 =	vadd.s32 $0xC3500, v6  }
0xb8: {  	s20 =	sadd.s32 $0x10, s20;
	[tilespmem:s2+$0x0] =	vst v6  }
.LBB2_12:
0xb9: {  	_ =	swait.ge [sflag:s14], $0x400  }
0xba: {  	[sflag:s14] =	ssyncset.done $0x0  }
0xbb: {  	[sflag:s14] =	ssyncadd.s32 $0xFFFFFC00  }
0xbc: {  	_ =	swait.ge [sflag:s14], $0x400  }
0xbd: {  	[sflag:s14] =	ssyncset.done $0x0  }
0xbe: {  	[sflag:s14] =	ssyncadd.s32 $0xFFFFFC00  }
0xbf: {  	_ =	swait.ge [sflag:s14], $0x80  }
0xc0: {  	[sflag:s14] =	ssyncset.done $0x0  }
0xc1: {  	s2 =	simm.s32 $0x1B6E0;
	[sflag:s14] =	ssyncadd.s32 $0xFFFFFF80  }
0xc2: {  	v6 =	vld [tilespmem:s2+$0x0];
	_ =	sdelay $0x3  }
0xc3: {  	s22 =	simm.s32 $0x0  }
0xc4: {  	v8 =	vor.u32 s22, v2;
	v6 =	vsub.s32 v6, v5  }
0xc5: {  	vm0 =	vlt.u32 v6, $0xC3500  }
0xc6: {  	v7 =	vsel vm0, $0x1, v3  }
0xc7: {  	(xrf0) =	vadd.scan.msk.s32 $0xffff, v7  }
0xc8: {  	s24 =	smov.u32 s1  }
0xc9: {  	s1 =	smov.u32 s28;
	s28 =	smov.u32 s25;
	s25 =	simm.s32 $0x1BEE0;
	v7 =	vld.idx.msk [tilespmem:v8+s23+$0x0], $0xffff  }
0xca: {  	v8 =	vld [tilespmem:s25+$0x0];
	_ =	sdelay $0x2  }
0xcb: {  	v9, _, _ =	vpop (xrf0)  }
0xcc: {  	(v2sf) =	vpush v9, $0xF  }
0xcd: {  	[tilespmem:s4+$0x1C7E0] =	vst.msk vm0, v6;
	v7 =	vmul.f32 v7, v8  }
0xce: {  	[tilespmem:s4+$0x1D7E0] =	vst.msk vm0, v8  }
0xcf: {  	s2 =	simm.s32 $0x1B6F0;
	[tilespmem:s4+$0x1E7E0] =	vst.msk vm0, v7  }
0xd0: {  	v6 =	vld [tilespmem:s2+$0x0];
	_ =	sdelay $0x1  }
0xd1: {  	s20 =	simm.s32 $0x2  }
0xd2: {  	v7 =	vor.u32 s20, v2;
	_ =	sdelay $0x1  }
0xd3: {  	v6 =	vsub.s32 v6, v5  }
0xd4: {  	vm0 =	vlt.u32 v6, $0xC3500  }
0xd5: {  	v8 =	vsel vm0, $0x1, v3  }
0xd6: {  	s20 =	simm.s32 $0x1BEF0;
	v7 =	vld.idx.msk [tilespmem:v7+s23+$0x0], $0xffff;
	(xrf0) =	vadd.scan.msk.s32 $0xffff, v8  }
0xd7: {  	v8 =	vld [tilespmem:s20+$0x0];
	_ =	sdelay $0x1  }
0xd8: {  	s21 =	sshll.u32 s3, $0xB;
	s29 =	simm.s32 $0x4;
	s22 =	spop (v2sf)  }
.LBB2_13:
0xd9: {  	p0 =	sne.s32 s29, $0x7E  }
0xda: {  	s4 =	sadd.s32 s4, s22;
	s22 =	smov.u32 s29;
	s29 =	sadd.s32 $0x2, s29  }
0xdb: {  	v7 =	vmul.f32 v7, v8;
	[tilespmem:s4+$0x1C7E0] =	vst.msk vm0, v6;
	v6, _, _ =	vpop (xrf0)  }
0xdc: {  	[tilespmem:s4+$0x1D7E0] =	vst.msk vm0, v8;
	(v2sf) =	vpush v6, $0xF  }
0xdd: {  	[tilespmem:s4+$0x1E7E0] =	vst.msk vm0, v7  }
0xde: {  	s2 =	sadd.s32 $0x10, s2  }
0xdf: {  	v6 =	vld [tilespmem:s2+$0x0];
	_ =	sdelay $0x2  }
0xe0: {  	v7 =	vor.u32 s22, v2;
	_ =	sdelay $0x1  }
0xe1: {  	v6 =	vsub.s32 v6, v5  }
0xe2: {  	vm0 =	vlt.u32 v6, $0xC3500  }
0xe3: {  	v8 =	vsel vm0, $0x1, v3  }
.Ltmp5:
0xe4: {  	s20 =	sadd.s32 $0x10, s20;
	v7 =	vld.idx.msk [tilespmem:v7+s23+$0x0], $0xffff;
	(xrf0) =	vadd.scan.msk.s32 $0xffff, v8;
	(pc) =	sbr.rel @p0 .LBB2_13-.Ltmp5, $2  }
0xe5: {  	v8 =	vld [tilespmem:s20+$0x0];
	_ =	sdelay $0x2  }
0xe6: {  	s22 =	spop (v2sf)  }
0xe7: {  	_ = 	snop  }
0xe8: {  	v9, _, _ =	vpop (xrf0)  }
0xe9: {  	(v2sf) =	vpush v9, $0xF;
	_ =	sdelay $0x7  }
0xea: {  	s2 =	sadd.s32 s4, s22;
	p0 =	seq.s32 s3, $0x4A;
	s4 =	rddreg [dreg:$0x10]  }
0xeb: {  	v7 =	vmul.f32 v7, v8;
	[tilespmem:s2+$0x1C7E0] =	vst.msk vm0, v6;
	s4 =	sadd.s32 @!p0 s21, s4  }
0xec: {  	s22 =	rddreg [dreg:$0x0];
	[tilespmem:s2+$0x1D7E0] =	vst.msk vm0, v8;
	s20 =	sshrl.u32 @!p0 s4, $0x3  }
0xed: {  	s29 =	simm.s32 @!p0 $0x0;
	s25 =	simm.s32 @!p0 $0x1B6E0;
	[tilespmem:s2+$0x1E7E0] =	vst.msk vm0, v7;
	s22 =	sadd.s32 @!p0 s22, s20  }
0xee: {  	[tilespmem:s25], [sflag:$0x3] =	stream.linear.gather @!p0 [hbm4b:s22+s29], $0x400, $0x38;
	[tilespmem:$0x1F7E0] =	vst v63  }
0xef: {  	s20 =	sadd.s32 @!p0 s9, s20;
	s22 =	simm.s32 @!p0 $0x1BEE0  }
0xf0: {  	[tilespmem:s22], [sflag:$0x3] =	stream.linear.gather @!p0 [hbm4b:s20+s29], $0x400, $0x38;
	[tilespmem:$0x1F7E0] =	vst v63  }
0xf1: {  	s25 =	spop (v2sf)  }
0xf2: {  	s22 =	sshrl.u32 @!p0 s4, $0x6;
	s4 =	sadd.s32 s2, s25  }
0xf3: {  	p1 =	slt.s32 s4, $0xC01  }
.Ltmp6:
0xf4: {  	_ = 	snop;
	(pc) =	sbr.rel @p1 .LBB2_17-.Ltmp6, $3  }
0xf5: {  	_ =	sdelay $0x1  }
0xf6: {  	s20 =	simm.s32 @!p0 $0x1C6E0;
	s2 =	sadd.s32 @!p0 s10, s22  }
0xf7: {  	[tilespmem:s20], [sflag:$0x3] =	stream.linear.gather @!p0 [hbm4b:s2+s29], $0x80, $0x38;
	[tilespmem:$0x1F7E0] =	vst v63  }
0xf8: {  	s2 =	simm.s32 $0x1C7E0;
	s4 =	simm.s32 $0x1000;
	s20 =	simm.s32 $0x1D7E0  }
0xf9: {  	[spmem:s5] =	stream.indirect.scatter.add.f32 [tilespmem:s20], [sflag:$0x5], $0x1, s2, s4, $0xb8;
	[tilespmem:$0x1F7E0] =	vst v63  }
0xfa: {  	_ =	swait.ge [sflag:s17], $0x1000  }
0xfb: {  	[sflag:s17] =	ssyncset.done $0x0  }
0xfc: {  	s29 =	simm.s32 $0x1E7E0;
	[sflag:s17] =	ssyncadd.s32 $0xFFFFF000  }
0xfd: {  	[spmem:s6] =	stream.indirect.scatter.add.f32 [tilespmem:s29], [sflag:$0x5], $0x1, s2, s4, $0xb8;
	[tilespmem:$0x1F7E0] =	vst v63  }
0xfe: {  	s4 =	simm.s32 $0x0  }
0xff: {  	_ =	swait.ge [sflag:s17], $0x1000;
	v6 =	vor.u32 s4, v0  }
0x100: {  	[sflag:s17] =	ssyncset.done $0x0;
	v6 =	vand.u32 $0x1FF, v6  }
0x101: {  	[sflag:s17] =	ssyncadd.s32 $0xFFFFF000;
	v6 =	vadd.s32 $0xC3500, v6  }
0x102: {  	s20 =	simm.s32 $0x10;
	[tilespmem:s2+$0x0] =	vst v6  }
.LBB2_16:
0x103: {  	p1 =	sne.s32 s20, $0xFF0  }
.Ltmp7:
0x104: {  	_ = 	snop;
	(pc) =	sbr.rel @p1 .LBB2_16-.Ltmp7, $4  }
0x105: {  	v6 =	vor.u32 s20, v0  }
0x106: {  	v6 =	vand.u32 $0x1FF, v6  }
0x107: {  	s2 =	sadd.s32 $0x10, s2;
	v6 =	vadd.s32 $0xC3500, v6  }
0x108: {  	s20 =	sadd.s32 $0x10, s20;
	[tilespmem:s2+$0x0] =	vst v6  }
.LBB2_17:
0x109: {  	_ =	swait.ge [sflag:s7], $0x400  }
0x10a: {  	[sflag:s7] =	ssyncset.done $0x0  }
0x10b: {  	[sflag:s7] =	ssyncadd.s32 $0xFFFFFC00  }
0x10c: {  	_ =	swait.ge [sflag:s7], $0x400  }
0x10d: {  	[sflag:s7] =	ssyncset.done $0x0  }
0x10e: {  	[sflag:s7] =	ssyncadd.s32 $0xFFFFFC00  }
0x10f: {  	_ =	swait.ge [sflag:s7], $0x80  }
0x110: {  	[sflag:s7] =	ssyncset.done $0x0  }
0x111: {  	s2 =	simm.s32 $0x1BAE0;
	[sflag:s7] =	ssyncadd.s32 $0xFFFFFF80  }
0x112: {  	v6 =	vld [tilespmem:s2+$0x0];
	_ =	sdelay $0x3  }
0x113: {  	s22 =	simm.s32 $0x0  }
0x114: {  	v8 =	vor.u32 s22, v2;
	v6 =	vsub.s32 v6, v5  }
0x115: {  	vm0 =	vlt.u32 v6, $0xC3500  }
0x116: {  	v7 =	vsel vm0, $0x1, v3  }
0x117: {  	(xrf0) =	vadd.scan.msk.s32 $0xffff, v7;
	_ =	sdelay $0x1  }
0x118: {  	s25 =	simm.s32 $0x1C2E0;
	v7 =	vld.idx.msk [tilespmem:v8+s26+$0x0], $0xffff  }
0x119: {  	v8 =	vld [tilespmem:s25+$0x0];
	_ =	sdelay $0x2  }
0x11a: {  	v9, _, _ =	vpop (xrf0)  }
0x11b: {  	(v2sf) =	vpush v9, $0xF  }
0x11c: {  	[tilespmem:s4+$0x1C7E0] =	vst.msk vm0, v6;
	v7 =	vmul.f32 v7, v8  }
0x11d: {  	[tilespmem:s4+$0x1D7E0] =	vst.msk vm0, v8  }
0x11e: {  	s2 =	simm.s32 $0x1BAF0;
	[tilespmem:s4+$0x1E7E0] =	vst.msk vm0, v7  }
0x11f: {  	v6 =	vld [tilespmem:s2+$0x0];
	_ =	sdelay $0x1  }
0x120: {  	s20 =	simm.s32 $0x2  }
0x121: {  	v7 =	vor.u32 s20, v2;
	_ =	sdelay $0x1  }
0x122: {  	v6 =	vsub.s32 v6, v5  }
0x123: {  	vm0 =	vlt.u32 v6, $0xC3500  }
0x124: {  	v8 =	vsel vm0, $0x1, v3  }
0x125: {  	s20 =	simm.s32 $0x1C2F0;
	v7 =	vld.idx.msk [tilespmem:v7+s26+$0x0], $0xffff;
	(xrf0) =	vadd.scan.msk.s32 $0xffff, v8  }
0x126: {  	v8 =	vld [tilespmem:s20+$0x0];
	_ =	sdelay $0x1  }
0x127: {  	s29 =	simm.s32 $0x4;
	s25 =	smov.u32 s28;
	s22 =	spop (v2sf)  }
.LBB2_18:
0x128: {  	p1 =	sne.s32 s29, $0x7E  }
0x129: {  	s4 =	sadd.s32 s4, s22;
	s22 =	smov.u32 s29;
	s29 =	sadd.s32 $0x2, s29  }
0x12a: {  	v7 =	vmul.f32 v7, v8;
	[tilespmem:s4+$0x1C7E0] =	vst.msk vm0, v6;
	v6, _, _ =	vpop (xrf0)  }
0x12b: {  	[tilespmem:s4+$0x1D7E0] =	vst.msk vm0, v8;
	(v2sf) =	vpush v6, $0xF  }
0x12c: {  	[tilespmem:s4+$0x1E7E0] =	vst.msk vm0, v7  }
0x12d: {  	s2 =	sadd.s32 $0x10, s2  }
0x12e: {  	v6 =	vld [tilespmem:s2+$0x0];
	_ =	sdelay $0x2  }
0x12f: {  	v7 =	vor.u32 s22, v2;
	_ =	sdelay $0x1  }
0x130: {  	v6 =	vsub.s32 v6, v5  }
0x131: {  	vm0 =	vlt.u32 v6, $0xC3500  }
0x132: {  	v8 =	vsel vm0, $0x1, v3  }
.Ltmp8:
0x133: {  	s20 =	sadd.s32 $0x10, s20;
	v7 =	vld.idx.msk [tilespmem:v7+s26+$0x0], $0xffff;
	(xrf0) =	vadd.scan.msk.s32 $0xffff, v8;
	(pc) =	sbr.rel @p1 .LBB2_18-.Ltmp8, $2  }
0x134: {  	v8 =	vld [tilespmem:s20+$0x0];
	_ =	sdelay $0x2  }
0x135: {  	s22 =	spop (v2sf)  }
0x136: {  	_ = 	snop  }
0x137: {  	v9, _, _ =	vpop (xrf0)  }
0x138: {  	(v2sf) =	vpush v9, $0xF;
	_ =	sdelay $0xb  }
.Ltmp9:
0x139: {  	_ = 	snop;
	(pc) =	sbr.rel @p0 .LBB2_21-.Ltmp9, $4  }
0x13a: {  	s2 =	sadd.s32 s4, s22  }
0x13b: {  	v7 =	vmul.f32 v7, v8;
	[tilespmem:s2+$0x1C7E0] =	vst.msk vm0, v6  }
0x13c: {  	[tilespmem:s2+$0x1D7E0] =	vst.msk vm0, v8;
	s29 =	spop (v2sf)  }
0x13d: {  	s28 =	smov.u32 s1;
	[tilespmem:s2+$0x1E7E0] =	vst.msk vm0, v7;
	s4 =	sadd.s32 s2, s29  }
0x13e: {  	s1 =	rddreg [dreg:$0x11]  }
0x13f: {  	s2 =	sadd.s32 s21, s1  }
0x140: {  	s1 =	rddreg [dreg:$0x0];
	s20 =	sshrl.u32 s2, $0x3  }
0x141: {  	s22 =	simm.s32 $0x1BAE0;
	s21 =	sadd.s32 s1, s20  }
0x142: {  	[tilespmem:s22], [sflag:$0x4] =	stream.linear.gather [hbm4b:s21+s8], $0x400, $0x38;
	[tilespmem:$0x1F7E0] =	vst v63  }
.Ltmp10:
0x143: {  	_ = 	snop;
	(pc) =	sbr.rel .LBB2_9-.Ltmp10, $4  }
0x144: {  	s29 =	simm.s32 $0x1C2E0;
	s2 =	sshrl.u32 s2, $0x6;
	s20 =	sadd.s32 s9, s20  }
0x145: {  	[tilespmem:s29], [sflag:$0x4] =	stream.linear.gather [hbm4b:s20+s8], $0x400, $0x38;
	[tilespmem:$0x1F7E0] =	vst v63  }
0x146: {  	s3 =	sadd.s32 $0x1, s3;
	s2 =	sadd.s32 s10, s2;
	s1 =	smov.u32 s24  }
0x147: {  	[tilespmem:s26], [sflag:$0x4] =	stream.linear.gather [hbm4b:s2+s8], $0x80, $0x38;
	[tilespmem:$0x1F7E0] =	vst v63  }
.LBB2_21:
0x148: {  	s2 =	simm.s32 $0x1C7E0;
	s1 =	simm.s32 $0x1000;
	s3 =	simm.s32 $0x1D7E0  }
0x149: {  	[spmem:s5] =	stream.indirect.scatter.add.f32 [tilespmem:s3], [sflag:$0x5], $0x1, s2, s1, $0xb8;
	[tilespmem:$0x1F7E0] =	vst v63  }
0x14a: {  	_ =	swait.ge [sflag:s17], $0x1000  }
0x14b: {  	[sflag:s17] =	ssyncset.done $0x0  }
0x14c: {  	s22 =	simm.s32 $0x1E7E0;
	s29 =	simm.s32 $0x0;
	[sflag:s17] =	ssyncadd.s32 $0xFFFFF000  }
0x14d: {  	[spmem:s6] =	stream.indirect.scatter.add.f32 [tilespmem:s22], [sflag:$0x5], $0x1, s2, s1, $0xb8;
	[tilespmem:$0x1F7E0] =	vst v63  }
0x14e: {  	v5 =	vor.u32 s29, v0;
	_ =	swait.ge [sflag:s17], $0x1000  }
0x14f: {  	v5 =	vand.u32 $0x1FF, v5;
	[sflag:s17] =	ssyncset.done $0x0  }
0x150: {  	v5 =	vadd.s32 $0xC3500, v5;
	[sflag:s17] =	ssyncadd.s32 $0xFFFFF000  }
0x151: {  	s3 =	simm.s32 $0x10;
	s1 =	smov.u32 s24;
	[tilespmem:s2+$0x0] =	vst v5  }
.LBB2_22:
0x152: {  	p0 =	sne.s32 s3, $0xFF0  }
.Ltmp11:
0x153: {  	_ = 	snop;
	(pc) =	sbr.rel @p0 .LBB2_22-.Ltmp11, $4  }
0x154: {  	v5 =	vor.u32 s3, v0  }
0x155: {  	v5 =	vand.u32 $0x1FF, v5  }
0x156: {  	s2 =	sadd.s32 $0x10, s2;
	v5 =	vadd.s32 $0xC3500, v5  }
0x157: {  	s3 =	sadd.s32 $0x10, s3;
	[tilespmem:s2+$0x0] =	vst v5  }
0x158: {  	[bflag:$0x0] =	sbarrier.arrive $0xFFFF  }
0x159: {  	s2 =	sld [smem:$0x7F9]  }
0x15a: {  	s20 =	sld [smem:$0x7F8]  }
0x15b: {  	s21 =	simm.s32 $0x0;
	s22 =	sld [smem:$0x7FB]  }
0x15c: {  	[tilespmem:s15], [sflag:$0x1] =	stream.linear.gather [hbm4b:s2+s21], $0x7D0, $0x38;
	[tilespmem:$0x1F7E0] =	vst v63  }
0x15d: {  	s3 =	simm.s32 $0x196E0;
	s24 =	sld [smem:$0x7FA];
	s2 =	sadd.s32 s28, s20  }
0x15e: {  	[tilespmem:s3], [sflag:$0x1] =	stream.linear.gather [hbm4b:s2+s21], $0x7D0, $0x38;
	[tilespmem:$0x1F7E0] =	vst v63  }
0x15f: {  	_ = 	snop  }
0x160: {  	[tilespmem:s16], [sflag:$0x2] =	stream.linear.gather [hbm4b:s22+s21], $0x7D0, $0x38;
	[tilespmem:$0x1F7E0] =	vst v63  }
0x161: {  	s29 =	simm.s32 $0x19EE0;
	s2 =	sadd.s32 s28, s24  }
0x162: {  	[tilespmem:s29], [sflag:$0x2] =	stream.linear.gather [hbm4b:s2+s21], $0x7D0, $0x38;
	[tilespmem:$0x1F7E0] =	vst v63  }
.LBB2_24:
0x163: {  	_ =	swait.ge [sflag:s13], $0x7D0  }
0x164: {  	s3 =	sshll.u32 s21, $0x5;
	s2 =	stileid.u32;
	[sflag:s13] =	ssyncset.done $0x0  }
0x165: {  	s2 =	sor.u32 s2, s3;
	[sflag:s13] =	ssyncadd.s32 $0xFFFFF830  }
0x166: {  	s4 =	smul.u32 $0x7D0, s2;
	_ =	swait.ge [sflag:s13], $0x7D0  }
0x167: {  	[sflag:s13] =	ssyncset.done $0x0  }
0x168: {  	s20 =	simm.s32 $0x1A6E0;
	s2 =	sadd.s32 s4, s5;
	[sflag:s13] =	ssyncadd.s32 $0xFFFFF830  }
0x169: {  	[tilespmem:s20], [sflag:$0x5] =	stream.linear.gather [spmem:s2], $0x7D0, $0x38;
	[tilespmem:$0x1F7E0] =	vst v63  }
0x16a: {  	_ =	swait.ge [sflag:s17], $0x7D0  }
0x16b: {  	[sflag:s17] =	ssyncset.done $0x0  }
0x16c: {  	s24 =	sadd.s32 s4, s6;
	[sflag:s17] =	ssyncadd.s32 $0xFFFFF830  }
0x16d: {  	[tilespmem:s18], [sflag:$0x5] =	stream.linear.gather [spmem:s24], $0x7D0, $0x38;
	[tilespmem:$0x1F7E0] =	vst v63  }
0x16e: {  	_ =	swait.ge [sflag:s17], $0x7D0  }
0x16f: {  	[sflag:s17] =	ssyncset.done $0x0  }
0x170: {  	s29 =	simm.s32 $0x0;
	[sflag:s17] =	ssyncadd.s32 $0xFFFFF830  }
0x171: {  	v6 =	vld [tilespmem:s29+$0x1A6E0];
	_ =	sdelay $0x3  }
0x172: {  	v8 =	vld [tilespmem:s29+$0x186E0]  }
0x173: {  	v5 =	vld [tilespmem:s29+$0x196E0];
	(erf) = vrcp.f32 v6;
	_ =	sdelay $0x2  }
0x174: {  	v7 =	vld [tilespmem:s29+$0x1AEE0];
	_ =	sdelay $0x1  }
0x175: {  	v9 =	vmul.f32 v5, v8;
	_ =	sdelay $0x1  }
0x176: {  	v10 =	vshrl.u32 v6, $0xD  }
0x177: {  	v10 =	vand.u32 $0x1, v10;
	v7 =	vadd.f32 v7, v9  }
0x178: {  	vm0 =	vlt.f32 v6, v8;
	v10 =	vadd.s32 v10, v6;
	v9 =	vpop (erf)  }
0x179: {  	vm1 =	vgt.f32 v6, v8;
	v10 =	vadd.s32 $0xFFF, v10;
	v7 =	vmul.f32 v7, v9  }
0x17a: {  	vm2 =	vgt.f32 v6, $0.0e+00;
	v6 =	vand.u32 $0x7FFFFFFF, v6;
	v10 =	vand.u32 $0xFFFFE000, v10  }
0x17b: {  	s20 =	simm.s32 $0x10;
	v9 =	vsel vm2, $0x7F800000, v4;
	vm2 =	vge.f32 v6, $6.552000000e+04;
	v6 =	vshrl.u32 v7, $0xD  }
0x17c: {  	v9 =	vsel vm2, v9, v10;
	v10 =	vand.u32 $0x1, v6;
	v6 =	vld [tilespmem:s20+$0x1A6E0];
	_ =	sdelay $0x2  }
0x17d: {  	vm0 =	vmor vm1, vm0  }
0x17e: {  	s2 =	simm.s32 $0x80;
	v8 =	vsel vm0, v9, v8;
	vm1 =	vgt.f32 v7, $0.0e+00;
	v9 =	vadd.s32 v10, v7  }
.LBB2_25:
0x17f: {  	p0 =	sne.s32 s2, $0x1F00;
	(erf) = vrcp.f32 v6;
	[tilespmem:s29+$0x186E0] =	vst v8;
	v8 =	vadd.s32 $0xFFF, v9;
	v7 =	vand.u32 $0x7FFFFFFF, v7;
	s22 =	smov.u32 s2;
	s2 =	sadd.s32 $0x40, s2  }
0x180: {  	v10 =	vsel vm1, $0x7F800000, v4;
	v9 =	vld [tilespmem:s20+$0x186E0];
	v8 =	vand.u32 $0xFFFFE000, v8;
	vm1 =	vge.f32 v7, $6.552000000e+04  }
0x181: {  	v7 =	vsel vm1, v10, v8  }
0x182: {  	v5 =	vsel vm0, v7, v5  }
0x183: {  	[tilespmem:s29+$0x196E0] =	vst v5;
	s29 =	smov.u32 s20  }
0x184: {  	v5 =	vld [tilespmem:s29+$0x196E0]  }
0x185: {  	vm0 =	vlt.f32 v6, v9;
	vm1 =	vgt.f32 v6, v9  }
0x186: {  	v7 =	vld [tilespmem:s29+$0x1AEE0];
	_ =	sdelay $0x1  }
0x187: {  	v8 =	vpop (erf)  }
0x188: {  	v10 =	vmul.f32 v5, v9  }
0x189: {  	v11 =	vshrl.u32 v6, $0xD;
	vm2 =	vgt.f32 v6, $0.0e+00  }
0x18a: {  	v13 =	vand.u32 $0x7FFFFFFF, v6;
	v12 =	vsel vm2, $0x7F800000, v4;
	v7 =	vadd.f32 v7, v10  }
0x18b: {  	s20 =	sshra.s32 s22, $0x2;
	v10 =	vand.u32 $0x1, v11  }
.Ltmp12:
0x18c: {  	v10 =	vadd.s32 v10, v6;
	v6 =	vld [tilespmem:s20+$0x1A6E0];
	v7 =	vmul.f32 v7, v8;
	(pc) =	sbr.rel @p0 .LBB2_25-.Ltmp12, $4  }
0x18d: {  	v8 =	vadd.s32 $0xFFF, v10  }
0x18e: {  	vm2 =	vge.f32 v13, $6.552000000e+04;
	v8 =	vand.u32 $0xFFFFE000, v8;
	v10 =	vshrl.u32 v7, $0xD  }
0x18f: {  	vm0 =	vmor vm1, vm0;
	v8 =	vsel vm2, v12, v8;
	v10 =	vand.u32 $0x1, v10  }
0x190: {  	vm1 =	vgt.f32 v7, $0.0e+00;
	v8 =	vsel vm0, v8, v9;
	v9 =	vadd.s32 v10, v7  }
0x191: {  	v9 =	vadd.s32 $0xFFF, v9;
	v7 =	vand.u32 $0x7FFFFFFF, v7  }
0x192: {  	v10 =	vsel vm1, $0x7F800000, v4;
	v9 =	vand.u32 $0xFFFFE000, v9;
	vm1 =	vge.f32 v7, $6.552000000e+04  }
0x193: {  	v7 =	vsel vm1, v10, v9  }
0x194: {  	[tilespmem:s29+$0x186E0] =	vst v8;
	v5 =	vsel vm0, v7, v5  }
0x195: {  	v8 =	vld [tilespmem:s20+$0x186E0];
	[tilespmem:s29+$0x196E0] =	vst v5  }
0x196: {  	(erf) = vrcp.f32 v6;
	v5 =	vld [tilespmem:s20+$0x196E0];
	_ =	sdelay $0x2  }
0x197: {  	v7 =	vld [tilespmem:s20+$0x1AEE0];
	_ =	sdelay $0x1  }
0x198: {  	v9 =	vmul.f32 v5, v8;
	_ =	sdelay $0x2  }
0x199: {  	v10 =	vshrl.u32 v6, $0xD;
	v7 =	vadd.f32 v7, v9  }
0x19a: {  	v10 =	vand.u32 $0x1, v10;
	v9 =	vpop (erf)  }
0x19b: {  	vm1 =	vgt.f32 v6, $0.0e+00;
	v10 =	vadd.s32 v10, v6;
	v7 =	vmul.f32 v7, v9  }
0x19c: {  	v10 =	vadd.s32 $0xFFF, v10;
	vm0 =	vlt.f32 v6, v8;
	vm2 =	vgt.f32 v6, v8  }
0x19d: {  	v6 =	vand.u32 $0x7FFFFFFF, v6;
	v10 =	vand.u32 $0xFFFFE000, v10;
	v11 =	vshrl.u32 v7, $0xD  }
0x19e: {  	v9 =	vsel vm1, $0x7F800000, v4;
	vm1 =	vge.f32 v6, $6.552000000e+04;
	v6 =	vand.u32 $0x1, v11  }
0x19f: {  	vm0 =	vmor vm2, vm0;
	v9 =	vsel vm1, v9, v10;
	v6 =	vadd.s32 v6, v7  }
0x1a0: {  	vm1 =	vgt.f32 v7, $0.0e+00;
	v7 =	vand.u32 $0x7FFFFFFF, v7;
	v6 =	vadd.s32 $0xFFF, v6  }
0x1a1: {  	v10 =	vsel vm1, $0x7F800000, v4;
	vm1 =	vge.f32 v7, $6.552000000e+04;
	v6 =	vand.u32 $0xFFFFE000, v6  }
0x1a2: {  	s2 =	sadd.s32 s0, s4;
	v7 =	vsel vm0, v9, v8;
	v6 =	vsel vm1, v10, v6  }
0x1a3: {  	s2 =	sshrl.u32 s2, $0x3;
	[tilespmem:s20+$0x186E0] =	vst v7;
	v5 =	vsel vm0, v6, v5  }
0x1a4: {  	s22 =	simm.s32 $0x0;
	s24 =	sadd.s32 s11, s2;
	[tilespmem:s20+$0x196E0] =	vst v5  }
0x1a5: {  	[hbm4b:s24+s22] =	stream.linear.scatter [tilespmem:s15], [sflag:$0x5], $0x7D0, $0x38;
	[tilespmem:$0x1F7E0] =	vst v63  }
0x1a6: {  	_ =	swait.ge [sflag:s17], $0x7D0  }
0x1a7: {  	s24 =	rddreg [dreg:$0x1a]  }
0x1a8: {  	s2 =	sadd.s32 s1, s2;
	[sflag:s17] =	ssyncset.done $0x0;
	s20 =	sadd.s32 s24, s3  }
0x1a9: {  	[sflag:s17] =	ssyncadd.s32 $0xFFFFF830;
	s24 =	simm.s32 $0x196E0;
	s20 =	smul.u32 $0x7D0, s20  }
0x1aa: {  	[hbm4b:s2+s22] =	stream.linear.scatter [tilespmem:s24], [sflag:$0x5], $0x7D0, $0x38;
	[tilespmem:$0x1F7E0] =	vst v63  }
0x1ab: {  	_ =	swait.ge [sflag:s17], $0x7D0;
	s20 =	sadd.s32 s0, s20  }
0x1ac: {  	[sflag:s17] =	ssyncset.done $0x0;
	s2 =	sshrl.u32 s20, $0x3  }
0x1ad: {  	[sflag:s17] =	ssyncadd.s32 $0xFFFFF830;
	s20 =	sadd.s32 s25, s2  }
0x1ae: {  	[tilespmem:s15], [sflag:$0x1] =	stream.linear.gather [hbm4b:s20+s22], $0x7D0, $0x38;
	[tilespmem:$0x1F7E0] =	vst v63  }
0x1af: {  	s2 =	sadd.s32 s28, s2  }
0x1b0: {  	[tilespmem:s24], [sflag:$0x1] =	stream.linear.gather [hbm4b:s2+s22], $0x7D0, $0x38;
	[tilespmem:$0x1F7E0] =	vst v63  }
0x1b1: {  	_ =	swait.ge [sflag:s19], $0x7D0  }
0x1b2: {  	[sflag:s19] =	ssyncset.done $0x0  }
0x1b3: {  	[sflag:s19] =	ssyncadd.s32 $0xFFFFF830  }
0x1b4: {  	_ =	swait.ge [sflag:s19], $0x7D0  }
0x1b5: {  	s4 =	sadd.s32 $0x7D00, s4;
	[sflag:s19] =	ssyncset.done $0x0  }
0x1b6: {  	s20 =	sadd.s32 s4, s5;
	s22 =	simm.s32 $0x1A6E0;
	[sflag:s19] =	ssyncadd.s32 $0xFFFFF830  }
0x1b7: {  	[tilespmem:s22], [sflag:$0x5] =	stream.linear.gather [spmem:s20], $0x7D0, $0x38;
	[tilespmem:$0x1F7E0] =	vst v63  }
0x1b8: {  	_ =	swait.ge [sflag:s17], $0x7D0  }
0x1b9: {  	[sflag:s17] =	ssyncset.done $0x0  }
0x1ba: {  	s24 =	sadd.s32 s4, s6;
	[sflag:s17] =	ssyncadd.s32 $0xFFFFF830  }
0x1bb: {  	[tilespmem:s18], [sflag:$0x5] =	stream.linear.gather [spmem:s24], $0x7D0, $0x38;
	[tilespmem:$0x1F7E0] =	vst v63  }
0x1bc: {  	_ =	swait.ge [sflag:s17], $0x7D0  }
0x1bd: {  	[sflag:s17] =	ssyncset.done $0x0  }
0x1be: {  	s29 =	simm.s32 $0x0;
	[sflag:s17] =	ssyncadd.s32 $0xFFFFF830  }
0x1bf: {  	v6 =	vld [tilespmem:s29+$0x1A6E0];
	_ =	sdelay $0x3  }
0x1c0: {  	v8 =	vld [tilespmem:s29+$0x18EE0]  }
0x1c1: {  	v5 =	vld [tilespmem:s29+$0x19EE0];
	(erf) = vrcp.f32 v6;
	_ =	sdelay $0x2  }
0x1c2: {  	v7 =	vld [tilespmem:s29+$0x1AEE0];
	_ =	sdelay $0x1  }
0x1c3: {  	v9 =	vmul.f32 v5, v8;
	_ =	sdelay $0x1  }
0x1c4: {  	v10 =	vshrl.u32 v6, $0xD  }
0x1c5: {  	v10 =	vand.u32 $0x1, v10;
	v7 =	vadd.f32 v7, v9  }
0x1c6: {  	vm0 =	vlt.f32 v6, v8;
	v10 =	vadd.s32 v10, v6;
	v9 =	vpop (erf)  }
0x1c7: {  	vm1 =	vgt.f32 v6, v8;
	v10 =	vadd.s32 $0xFFF, v10;
	v7 =	vmul.f32 v7, v9  }
0x1c8: {  	vm2 =	vgt.f32 v6, $0.0e+00;
	v6 =	vand.u32 $0x7FFFFFFF, v6;
	v10 =	vand.u32 $0xFFFFE000, v10  }
0x1c9: {  	s20 =	simm.s32 $0x10;
	v9 =	vsel vm2, $0x7F800000, v4;
	vm2 =	vge.f32 v6, $6.552000000e+04;
	v6 =	vshrl.u32 v7, $0xD  }
0x1ca: {  	v9 =	vsel vm2, v9, v10;
	v10 =	vand.u32 $0x1, v6;
	v6 =	vld [tilespmem:s20+$0x1A6E0];
	_ =	sdelay $0x2  }
0x1cb: {  	vm0 =	vmor vm1, vm0  }
0x1cc: {  	s2 =	simm.s32 $0x80;
	v8 =	vsel vm0, v9, v8;
	vm1 =	vgt.f32 v7, $0.0e+00;
	v9 =	vadd.s32 v10, v7  }
.LBB2_27:
0x1cd: {  	p0 =	sne.s32 s2, $0x1F00;
	(erf) = vrcp.f32 v6;
	[tilespmem:s29+$0x18EE0] =	vst v8;
	v8 =	vadd.s32 $0xFFF, v9;
	v7 =	vand.u32 $0x7FFFFFFF, v7;
	s22 =	smov.u32 s2;
	s2 =	sadd.s32 $0x40, s2  }
0x1ce: {  	v10 =	vsel vm1, $0x7F800000, v4;
	v9 =	vld [tilespmem:s20+$0x18EE0];
	v8 =	vand.u32 $0xFFFFE000, v8;
	vm1 =	vge.f32 v7, $6.552000000e+04  }
0x1cf: {  	v7 =	vsel vm1, v10, v8  }
0x1d0: {  	v5 =	vsel vm0, v7, v5  }
0x1d1: {  	[tilespmem:s29+$0x19EE0] =	vst v5;
	s29 =	smov.u32 s20  }
0x1d2: {  	v5 =	vld [tilespmem:s29+$0x19EE0]  }
0x1d3: {  	vm0 =	vlt.f32 v6, v9;
	vm1 =	vgt.f32 v6, v9  }
0x1d4: {  	v7 =	vld [tilespmem:s29+$0x1AEE0];
	_ =	sdelay $0x1  }
0x1d5: {  	v8 =	vpop (erf)  }
0x1d6: {  	v10 =	vmul.f32 v5, v9  }
0x1d7: {  	v11 =	vshrl.u32 v6, $0xD;
	vm2 =	vgt.f32 v6, $0.0e+00  }
0x1d8: {  	v13 =	vand.u32 $0x7FFFFFFF, v6;
	v12 =	vsel vm2, $0x7F800000, v4;
	v7 =	vadd.f32 v7, v10  }
0x1d9: {  	s20 =	sshra.s32 s22, $0x2;
	v10 =	vand.u32 $0x1, v11  }
.Ltmp13:
0x1da: {  	v10 =	vadd.s32 v10, v6;
	v6 =	vld [tilespmem:s20+$0x1A6E0];
	v7 =	vmul.f32 v7, v8;
	(pc) =	sbr.rel @p0 .LBB2_27-.Ltmp13, $4  }
0x1db: {  	v8 =	vadd.s32 $0xFFF, v10  }
0x1dc: {  	vm2 =	vge.f32 v13, $6.552000000e+04;
	v8 =	vand.u32 $0xFFFFE000, v8;
	v10 =	vshrl.u32 v7, $0xD  }
0x1dd: {  	vm0 =	vmor vm1, vm0;
	v8 =	vsel vm2, v12, v8;
	v10 =	vand.u32 $0x1, v10  }
0x1de: {  	vm1 =	vgt.f32 v7, $0.0e+00;
	v8 =	vsel vm0, v8, v9;
	v9 =	vadd.s32 v10, v7  }
0x1df: {  	v9 =	vadd.s32 $0xFFF, v9;
	v7 =	vand.u32 $0x7FFFFFFF, v7  }
0x1e0: {  	v10 =	vsel vm1, $0x7F800000, v4;
	v9 =	vand.u32 $0xFFFFE000, v9;
	vm10 =	vge.f32 v7, $6.552000000e+04  }
0x1e1: {  	v7 =	vsel vm10, v10, v9  }
0x1e2: {  	[tilespmem:s29+$0x18EE0] =	vst v8;
	v5 =	vsel vm0, v7, v5  }
0x1e3: {  	(erf) = vrcp.f32 v6;
	v8 =	vld [tilespmem:s20+$0x18EE0];
	[tilespmem:s29+$0x19EE0] =	vst v5  }
0x1e4: {  	v5 =	vld [tilespmem:s20+$0x19EE0];
	_ =	sdelay $0x1  }
0x1e5: {  	v7 =	vld [tilespmem:s20+$0x1AEE0];
	_ =	sdelay $0x2  }
0x1e6: {  	v59 =	vmul.f32 v5, v8;
	_ =	sdelay $0x1  }
0x1e7: {  	v61 =	vshrl.u32 v6, $0xD;
	v7 =	vadd.f32 v7, v59  }
0x1e8: {  	v10 =	vand.u32 $0x1, v61;
	v60 =	vpop (erf)  }
0x1e9: {  	vm12 =	vgt.f32 v6, $0.0e+00;
	v10 =	vadd.s32 v10, v6;
	v7 =	vmul.f32 v7, v60  }
0x1ea: {  	v62 =	vsel vm12, $0x7F800000, v4;
	v10 =	vadd.s32 $0xFFF, v10;
	vm11 =	vlt.f32 v6, v8  }
0x1eb: {  	vm2 =	vgt.f32 v6, v8;
	v6 =	vand.u32 $0x7FFFFFFF, v6;
	v11 =	vshrl.u32 v7, $0xD  }
0x1ec: {  	v10 =	vand.u32 $0xFFFFE000, v10;
	vm13 =	vge.f32 v6, $6.552000000e+04;
	v6 =	vand.u32 $0x1, v11  }
0x1ed: {  	vm0 =	vmor vm2, vm11;
	v9 =	vsel vm13, v62, v10;
	v6 =	vadd.s32 v6, v7  }
0x1ee: {  	vm14 =	vgt.f32 v7, $0.0e+00;
	v7 =	vand.u32 $0x7FFFFFFF, v7;
	v6 =	vadd.s32 $0xFFF, v6  }
0x1ef: {  	v63 =	vsel vm14, $0x7F800000, v4;
	vm15 =	vge.f32 v7, $6.552000000e+04;
	v6 =	vand.u32 $0xFFFFE000, v6  }
0x1f0: {  	s2 =	sadd.s32 s0, s4;
	v7 =	vsel vm0, v9, v8;
	v6 =	vsel vm15, v63, v6  }
0x1f1: {  	s2 =	sshrl.u32 s2, $0x3;
	[tilespmem:s20+$0x18EE0] =	vst v7;
	v5 =	vsel vm0, v6, v5  }
0x1f2: {  	s29 =	sadd.s32 s11, s2;
	[tilespmem:s20+$0x19EE0] =	vst v5  }
0x1f3: {  	[hbm4b:s29+s8] =	stream.linear.scatter [tilespmem:s16], [sflag:$0x5], $0x7D0, $0x38;
	[tilespmem:$0x1F7E0] =	vst v63  }
0x1f4: {  	_ =	swait.ge [sflag:s17], $0x7D0  }
0x1f5: {  	s4 =	simm.s32 $0x19EE0;
	p0 =	seq.s32 s21, $0xB;
	[sflag:s17] =	ssyncset.done $0x0  }
.Ltmp14:
0x1f6: {  	s2 =	sadd.s32 s1, s2;
	[sflag:s17] =	ssyncadd.s32 $0xFFFFF830;
	(pc) =	sbr.rel @p0 .LBB2_30-.Ltmp14, $4  }
0x1f7: {  	[hbm4b:s2+s8] =	stream.linear.scatter [tilespmem:s4], [sflag:$0x5], $0x7D0, $0x38;
	[tilespmem:$0x1F7E0] =	vst v63  }
0x1f8: {  	_ =	swait.ge [sflag:s17], $0x7D0  }
0x1f9: {  	[sflag:s17] =	ssyncset.done $0x0  }
0x1fa: {  	[sflag:s17] =	ssyncadd.s32 $0xFFFFF830  }
0x1fb: {  	s2 =	rddreg [dreg:$0x1c]  }
0x1fc: {  	s2 =	sadd.s32 s2, s3  }
0x1fd: {  	s2 =	smul.u32 $0x7D0, s2;
	_ =	sdelay $0x1  }
0x1fe: {  	s2 =	sadd.s32 s0, s2  }
.Ltmp15:
0x1ff: {  	s2 =	sshrl.u32 s2, $0x3;
	(pc) =	sbr.rel .LBB2_24-.Ltmp15, $4  }
0x200: {  	s29 =	sadd.s32 s25, s2  }
0x201: {  	[tilespmem:s16], [sflag:$0x2] =	stream.linear.gather [hbm4b:s29+s8], $0x7D0, $0x38;
	[tilespmem:$0x1F7E0] =	vst v63  }
0x202: {  	s21 =	sadd.s32 $0x1, s21;
	s2 =	sadd.s32 s28, s2  }
0x203: {  	[tilespmem:s4], [sflag:$0x2] =	stream.linear.gather [hbm4b:s2+s8], $0x7D0, $0x38;
	[tilespmem:$0x1F7E0] =	vst v63  }
.LBB2_30:
0x204: {  	_ =	swait.ge [sflag:s13], $0x7D0  }
0x205: {  	[sflag:s13] =	ssyncset.done $0x0  }
0x206: {  	[sflag:s13] =	ssyncadd.s32 $0xFFFFF830  }
0x207: {  	_ =	swait.ge [sflag:s13], $0x7D0  }
0x208: {  	[sflag:s13] =	ssyncset.done $0x0  }
0x209: {  	s2 =	simm.s32 $0x1A6E0;
	s0 =	rddreg [dreg:$0x1d];
	[sflag:s13] =	ssyncadd.s32 $0xFFFFF830  }
0x20a: {  	[tilespmem:s2], [sflag:$0x5] =	stream.linear.gather [spmem:s0], $0x7D0, $0x38;
	[tilespmem:$0x1F7E0] =	vst v63  }
0x20b: {  	_ =	swait.ge [sflag:s17], $0x7D0  }
0x20c: {  	[sflag:s17] =	ssyncset.done $0x0  }
0x20d: {  	s29 =	rddreg [dreg:$0x1e];
	[sflag:s17] =	ssyncadd.s32 $0xFFFFF830  }
0x20e: {  	[tilespmem:s18], [sflag:$0x5] =	stream.linear.gather [spmem:s29], $0x7D0, $0x38;
	[tilespmem:$0x1F7E0] =	vst v63  }
0x20f: {  	_ =	swait.ge [sflag:s17], $0x7D0  }
0x210: {  	[sflag:s17] =	ssyncset.done $0x0  }
0x211: {  	s0 =	simm.s32 $0x0;
	[sflag:s17] =	ssyncadd.s32 $0xFFFFF830  }
0x212: {  	v6 =	vld [tilespmem:s0+$0x1A6E0];
	_ =	sdelay $0x3  }
0x213: {  	v8 =	vld [tilespmem:s0+$0x186E0]  }
0x214: {  	v5 =	vld [tilespmem:s0+$0x196E0];
	(erf) = vrcp.f32 v6;
	_ =	sdelay $0x2  }
0x215: {  	v7 =	vld [tilespmem:s0+$0x1AEE0];
	_ =	sdelay $0x1  }
0x216: {  	v9 =	vmul.f32 v5, v8;
	_ =	sdelay $0x1  }
0x217: {  	v10 =	vshrl.u32 v6, $0xD  }
0x218: {  	v10 =	vand.u32 $0x1, v10;
	v7 =	vadd.f32 v7, v9  }
0x219: {  	vm0 =	vlt.f32 v6, v8;
	v10 =	vadd.s32 v10, v6;
	v9 =	vpop (erf)  }
0x21a: {  	vm1 =	vgt.f32 v6, v8;
	v10 =	vadd.s32 $0xFFF, v10;
	v7 =	vmul.f32 v7, v9  }
0x21b: {  	vm2 =	vgt.f32 v6, $0.0e+00;
	v6 =	vand.u32 $0x7FFFFFFF, v6;
	v10 =	vand.u32 $0xFFFFE000, v10  }
0x21c: {  	s3 =	simm.s32 $0x10;
	v9 =	vsel vm2, $0x7F800000, v4;
	vm2 =	vge.f32 v6, $6.552000000e+04;
	v6 =	vshrl.u32 v7, $0xD  }
0x21d: {  	v9 =	vsel vm2, v9, v10;
	v10 =	vand.u32 $0x1, v6;
	v6 =	vld [tilespmem:s3+$0x1A6E0];
	_ =	sdelay $0x2  }
0x21e: {  	vm0 =	vmor vm1, vm0  }
0x21f: {  	s2 =	simm.s32 $0x80;
	s20 =	sld [smem:$0x7FD];
	v8 =	vsel vm0, v9, v8;
	vm1 =	vgt.f32 v7, $0.0e+00;
	v9 =	vadd.s32 v10, v7  }
.LBB2_31:
0x220: {  	p0 =	sne.s32 s2, $0x1F00;
	(erf) = vrcp.f32 v6;
	[tilespmem:s0+$0x186E0] =	vst v8;
	v8 =	vadd.s32 $0xFFF, v9;
	v7 =	vand.u32 $0x7FFFFFFF, v7;
	s4 =	smov.u32 s2;
	s2 =	sadd.s32 $0x40, s2  }
0x221: {  	v10 =	vsel vm1, $0x7F800000, v4;
	v9 =	vld [tilespmem:s3+$0x186E0];
	v8 =	vand.u32 $0xFFFFE000, v8;
	vm1 =	vge.f32 v7, $6.552000000e+04  }
0x222: {  	v7 =	vsel vm1, v10, v8  }
0x223: {  	v5 =	vsel vm0, v7, v5  }
0x224: {  	[tilespmem:s0+$0x196E0] =	vst v5;
	s0 =	smov.u32 s3  }
0x225: {  	v5 =	vld [tilespmem:s0+$0x196E0]  }
0x226: {  	vm0 =	vlt.f32 v6, v9;
	vm1 =	vgt.f32 v6, v9  }
0x227: {  	v7 =	vld [tilespmem:s0+$0x1AEE0];
	_ =	sdelay $0x1  }
0x228: {  	v8 =	vpop (erf)  }
0x229: {  	v10 =	vmul.f32 v5, v9  }
0x22a: {  	v11 =	vshrl.u32 v6, $0xD;
	vm2 =	vgt.f32 v6, $0.0e+00  }
0x22b: {  	v13 =	vand.u32 $0x7FFFFFFF, v6;
	v12 =	vsel vm2, $0x7F800000, v4;
	v7 =	vadd.f32 v7, v10  }
0x22c: {  	s3 =	sshra.s32 s4, $0x2;
	v10 =	vand.u32 $0x1, v11  }
.Ltmp16:
0x22d: {  	v10 =	vadd.s32 v10, v6;
	v6 =	vld [tilespmem:s3+$0x1A6E0];
	v7 =	vmul.f32 v7, v8;
	(pc) =	sbr.rel @p0 .LBB2_31-.Ltmp16, $4  }
0x22e: {  	v8 =	vadd.s32 $0xFFF, v10  }
0x22f: {  	vm2 =	vge.f32 v13, $6.552000000e+04;
	v8 =	vand.u32 $0xFFFFE000, v8;
	v10 =	vshrl.u32 v7, $0xD  }
0x230: {  	vm0 =	vmor vm1, vm0;
	v8 =	vsel vm2, v12, v8;
	v10 =	vand.u32 $0x1, v10  }
0x231: {  	vm1 =	vgt.f32 v7, $0.0e+00;
	v8 =	vsel vm0, v8, v9;
	v9 =	vadd.s32 v10, v7  }
0x232: {  	v9 =	vadd.s32 $0xFFF, v9;
	v7 =	vand.u32 $0x7FFFFFFF, v7  }
0x233: {  	v10 =	vsel vm1, $0x7F800000, v4;
	v9 =	vand.u32 $0xFFFFE000, v9;
	vm10 =	vge.f32 v7, $6.552000000e+04  }
0x234: {  	v7 =	vsel vm10, v10, v9  }
0x235: {  	[tilespmem:s0+$0x186E0] =	vst v8;
	v5 =	vsel vm0, v7, v5  }
0x236: {  	(erf) = vrcp.f32 v6;
	v8 =	vld [tilespmem:s3+$0x186E0];
	[tilespmem:s0+$0x196E0] =	vst v5  }
0x237: {  	v5 =	vld [tilespmem:s3+$0x196E0];
	_ =	sdelay $0x1  }
0x238: {  	v7 =	vld [tilespmem:s3+$0x1AEE0];
	_ =	sdelay $0x2  }
0x239: {  	v59 =	vmul.f32 v5, v8;
	_ =	sdelay $0x1  }
0x23a: {  	v61 =	vshrl.u32 v6, $0xD;
	v7 =	vadd.f32 v7, v59  }
0x23b: {  	v10 =	vand.u32 $0x1, v61;
	v60 =	vpop (erf)  }
0x23c: {  	vm12 =	vgt.f32 v6, $0.0e+00;
	v10 =	vadd.s32 v10, v6;
	v7 =	vmul.f32 v7, v60  }
0x23d: {  	v62 =	vsel vm12, $0x7F800000, v4;
	v10 =	vadd.s32 $0xFFF, v10;
	vm11 =	vlt.f32 v6, v8  }
0x23e: {  	vm2 =	vgt.f32 v6, v8;
	v6 =	vand.u32 $0x7FFFFFFF, v6;
	v11 =	vshrl.u32 v7, $0xD  }
0x23f: {  	v10 =	vand.u32 $0xFFFFE000, v10;
	vm13 =	vge.f32 v6, $6.552000000e+04;
	v6 =	vand.u32 $0x1, v11  }
0x240: {  	vm0 =	vmor vm2, vm11;
	v9 =	vsel vm13, v62, v10;
	v6 =	vadd.s32 v6, v7  }
0x241: {  	vm14 =	vgt.f32 v7, $0.0e+00;
	v7 =	vand.u32 $0x7FFFFFFF, v7;
	v6 =	vadd.s32 $0xFFF, v6  }
0x242: {  	s2 =	sld [smem:$0x7F7];
	v63 =	vsel vm14, $0x7F800000, v4;
	vm15 =	vge.f32 v7, $6.552000000e+04;
	v6 =	vand.u32 $0xFFFFE000, v6  }
0x243: {  	v7 =	vsel vm0, v9, v8;
	v6 =	vsel vm15, v63, v6  }
0x244: {  	[tilespmem:s3+$0x186E0] =	vst v7;
	v5 =	vsel vm0, v6, v5  }
0x245: {  	s22 =	sadd.s32 s11, s2;
	[tilespmem:s3+$0x196E0] =	vst v5  }
0x246: {  	[hbm4b:s22+s8] =	stream.linear.scatter [tilespmem:s15], [sflag:$0x5], $0x7D0, $0x38;
	[tilespmem:$0x1F7E0] =	vst v63  }
0x247: {  	_ =	swait.ge [sflag:s17], $0x7D0  }
0x248: {  	[sflag:s17] =	ssyncset.done $0x0  }
0x249: {  	s29 =	simm.s32 $0x196E0;
	s24 =	sadd.s32 s1, s2;
	[sflag:s17] =	ssyncadd.s32 $0xFFFFF830  }
0x24a: {  	[hbm4b:s24+s8] =	stream.linear.scatter [tilespmem:s29], [sflag:$0x5], $0x7D0, $0x38;
	[tilespmem:$0x1F7E0] =	vst v63  }
0x24b: {  	_ =	swait.ge [sflag:s17], $0x7D0  }
0x24c: {  	s12 =	sadd.s32 $0x1, s12;
	[sflag:s17] =	ssyncset.done $0x0  }
0x24d: {  	p0 =	sne.s32 s12, $0x5;
	[sflag:s17] =	ssyncadd.s32 $0xFFFFF830  }
.Ltmp17:
0x24e: {  	[bflag:$0x0] =	sbarrier.arrive $0xFFFF;
	(pc) =	sbr.rel @p0 .LBB2_4-.Ltmp17, $2  }
0x24f: {  	s4 =	sld [smem:$0x7FC];
	_ =	sdelay $0x2  }
0x250: {  	s20 =	sadd.s32 $0x186A0, s20;
	s4 =	sadd.s32 $0x186A0, s4  }
0x251: {  	s2 =	rddreg [dreg:$0x1f]  }
0x252: {  	s0 =	rddreg [dreg:$0x12];
	s2 =	sadd.s32 $0x1, s2  }
0x253: {  	p0 =	sne.s32 s2, s0  }
.Ltmp18:
0x254: {  	_ = 	snop;
	(pc) =	sbr.rel @p0 .LBB2_1-.Ltmp18, $1  }
0x255: {  	_ =	sdelay $0x3  }
0x256: {  	_ =	sfence.sel $0x180000  }
0x257: {  	[bflag:$0x0] =	sbarrier.arrive $0xFFFF  }
0x258: {  	_ =	strace $0x90000047  }
0x259: {  	s0 =	stileid.u32;
	[bflag:$0x2] =	sbarrier.arrive $0xFFFF  }
0x25a: {  	p0 =	sne.s32 s0, $0x0;
	s0 =	rddreg [dreg:$0x7]  }
0x25b: {  	s0 =	sadd.s32 @!p0 $0x100000, s0  }
0x25c: {  	[sflag:s0] =	ssyncadd.tile.s32 @!p0 $0x1;
	_ =	shalt  }
.Lfunc_end2:
_tile_overlayer_lowered:
.L_overlay_start_2:
0x25d: {  	(tag) =	ssettag $0x2  }
0x25e: {  	s0 =	rddreg [dreg:$0x0];
	s2 =	stileid.u32  }
0x25f: {  	s1 =	rddreg [dreg:$0x1];
	p0 =	sne.s32 s2, $0x0  }
0x260: {  	s3 =	rddreg [dreg:$0x2];
	[bflag:$0x3] =	sbarrier.arrive $0xFFFF;
	s2 =	simm.s32 @!p0 $0x1C05  }
0x261: {  	[timem:s3], [sflag:s2] =	dma.local @!p0 [hbm:s0], s1  }
0x262: {  	s0 =	simm.s32 @!p0 $0x5  }
0x263: {  	_ =	swait.ge @!p0 [sflag:s0], s1  }
0x264: {  	s1 =	ssub.s32 @!p0 $0x0, s1;
	[sflag:s0] =	ssyncset.done @!p0 $0x0  }
0x265: {  	[sflag:s0] =	ssyncadd.s32 @!p0 s1  }
0x266: {  	[bflag:$0x3] =	sbarrier.arrive $0xFFFF  }
0x267: {  	_ =	shalt  }

</sc_bundles>
